<compile_context>
chip_gen: v7x
topology: tpu7x:2x2x1
jax: 0.10.2.dev20260603
libtpu: 0.0.44.dev20260713+nightly
codegen_flags: <defaults>
</compile_context>

<pallas_src>
import functools

import jax
import jax.numpy as jnp
from jax import lax
from jax.experimental import pallas as pl
from jax.experimental.pallas import tpu as pltpu
from jax.experimental.pallas import tpu_sc as plsc

N = 10000
E = 320000
D = 128
BETA = 0.1

NC = 2
NS = 16
NW = NC * NS

NPAD = 10112
SLICE = NPAD // NS
CHUNK = 96
CPW = 108
EPAD = NW * CPW * CHUNK
HALF = CPW // 2

RB = 1000

def _degs_sc_body(dst_hbm, out_hbm, acc, idx_v, ones_v, z_v):
    c = lax.axis_index("c")
    s = lax.axis_index("s")
    wid = s * NC + c

    for i in range(CHUNK // 16):
        ones_v[pl.ds(i * 16, 16)] = jnp.ones((16,), jnp.float32)

    def zb(i, carry):
        z_v[pl.ds(i * 16, 16)] = jnp.zeros((16,), jnp.float32)
        return carry

    lax.fori_loop(0, 40, zb, 0)
    pltpu.sync_copy(z_v.at[pl.ds(0, SLICE)], acc.at[pl.ds(s * SLICE, SLICE)])
    pltpu.sync_copy(dst_hbm.at[wid], idx_v)
    plsc.subcore_barrier()

    def half_body(half, carry):
        def body(j, c2):
            pltpu.sync_copy(ones_v, acc.at[idx_v.at[half, j]], add=True)
            return c2

        lax.fori_loop(0, HALF, body, 0)
        return carry

    lax.fori_loop(0, 2, half_body, 0)
    plsc.subcore_barrier()
    pltpu.sync_copy(acc.at[pl.ds(s * SLICE, SLICE)], z_v.at[pl.ds(0, SLICE)])
    pltpu.sync_copy(z_v.at[pl.ds(0, SLICE)],
                    out_hbm.at[pl.ds(c * NPAD + s * SLICE, SLICE)])


def _agg_sc_body(h_hbm, src_hbm, dst_hbm, out_hbm, acc, src_v, dst_v, rows_v,
                 sem0, sem1, sem2):
    c = lax.axis_index("c")
    s = lax.axis_index("s")
    wid = s * NC + c

    def zb(i, carry):
        r = i // CHUNK
        row = i % CHUNK
        for k in range(D // 16):
            rows_v[r, row, pl.ds(k * 16, 16)] = jnp.zeros((16,), jnp.float32)
        return carry

    lax.fori_loop(0, 3 * CHUNK, zb, 0)
    base = s * SLICE
    for t in range(6):
        pltpu.sync_copy(rows_v.at[0], acc.at[pl.ds(base + t * CHUNK, CHUNK)])
    pltpu.sync_copy(rows_v.at[0, pl.ds(0, 56)],
                    acc.at[pl.ds(base + 6 * CHUNK, 56)])

    def load_half(half):
        pltpu.sync_copy(
            src_hbm.at[pl.ds((2 * wid + half) * (HALF * CHUNK),
                             HALF * CHUNK)], src_v)
        pltpu.sync_copy(dst_hbm.at[wid, half], dst_v)

    def prologue():
        pltpu.async_copy(h_hbm.at[src_v.at[pl.ds(0, CHUNK)]], rows_v.at[0],
                         sem0)
        pltpu.async_copy(h_hbm.at[src_v.at[pl.ds(CHUNK, CHUNK)]], rows_v.at[1],
                         sem1)
        pltpu.async_copy(h_hbm.at[src_v.at[pl.ds(2 * CHUNK, CHUNK)]],
                         rows_v.at[2], sem2)

    load_half(0)
    prologue()
    plsc.subcore_barrier()

    def run_loop():
        def body(t, c2):
            j = 3 * t
            pltpu.make_async_copy(h_hbm.at[src_v.at[pl.ds(j * CHUNK, CHUNK)]],
                                  rows_v.at[0], sem0).wait()
            pltpu.sync_copy(rows_v.at[0], acc.at[dst_v.at[j]], add=True)

            @pl.when(j + 3 < HALF)
            def _():
                pltpu.async_copy(
                    h_hbm.at[src_v.at[pl.ds((j + 3) * CHUNK, CHUNK)]],
                    rows_v.at[0], sem0)

            pltpu.make_async_copy(
                h_hbm.at[src_v.at[pl.ds((j + 1) * CHUNK, CHUNK)]],
                rows_v.at[1], sem1).wait()
            pltpu.sync_copy(rows_v.at[1], acc.at[dst_v.at[j + 1]], add=True)

            @pl.when(j + 4 < HALF)
            def _():
                pltpu.async_copy(
                    h_hbm.at[src_v.at[pl.ds((j + 4) * CHUNK, CHUNK)]],
                    rows_v.at[1], sem1)

            pltpu.make_async_copy(
                h_hbm.at[src_v.at[pl.ds((j + 2) * CHUNK, CHUNK)]],
                rows_v.at[2], sem2).wait()
            pltpu.sync_copy(rows_v.at[2], acc.at[dst_v.at[j + 2]], add=True)

            @pl.when(j + 5 < HALF)
            def _():
                pltpu.async_copy(
                    h_hbm.at[src_v.at[pl.ds((j + 5) * CHUNK, CHUNK)]],
                    rows_v.at[2], sem2)

            return c2

        lax.fori_loop(0, HALF // 3, body, 0)

    run_loop()
    load_half(1)
    prologue()
    run_loop()
    plsc.subcore_barrier()
    pltpu.sync_copy(acc.at[pl.ds(s * SLICE, SLICE)],
                    out_hbm.at[c, pl.ds(s * SLICE, SLICE)])


@functools.lru_cache(maxsize=None)
def _sc_kernels():
    mesh = plsc.VectorSubcoreMesh(core_axis_name="c", subcore_axis_name="s")
    degs = pl.kernel(
        _degs_sc_body,
        out_type=jax.ShapeDtypeStruct((NC * NPAD,), jnp.float32),
        mesh=mesh,
        scratch_types=[
            pltpu.VMEM_SHARED((NPAD,), jnp.float32),
            pltpu.VMEM((2, HALF, CHUNK), jnp.int32),
            pltpu.VMEM((CHUNK,), jnp.float32),
            pltpu.VMEM((640,), jnp.float32),
        ],
    )
    agg = pl.kernel(
        _agg_sc_body,
        out_type=jax.ShapeDtypeStruct((NC, NPAD, D), jnp.float32),
        mesh=mesh,
        scratch_types=[
            pltpu.VMEM_SHARED((NPAD, D), jnp.float32),
            pltpu.VMEM((HALF * CHUNK,), jnp.int32),
            pltpu.VMEM((HALF, CHUNK), jnp.int32),
            pltpu.VMEM((3, CHUNK, D), jnp.float32),
            pltpu.SemaphoreType.DMA,
            pltpu.SemaphoreType.DMA,
            pltpu.SemaphoreType.DMA,
        ],
    )
    return degs, agg


def _prescale_body(feat_ref, dc_ref, h_ref):
    d = dc_ref[0] + dc_ref[1]
    norm = lax.rsqrt(jnp.maximum(d, 1.0))
    h_ref[...] = feat_ref[...] * norm


_prescale = pl.pallas_call(
    _prescale_body,
    grid=(N // RB,),
    in_specs=[
        pl.BlockSpec((RB, D), lambda i: (i, 0)),
        pl.BlockSpec((NC, RB, 1), lambda i: (0, i, 0)),
    ],
    out_specs=pl.BlockSpec((RB, D), lambda i: (i, 0)),
    out_shape=jax.ShapeDtypeStruct((N, D), jnp.float32),
)


def _dense_body(ap_ref, dc_ref, init_ref, wg1_ref, wg2_ref, bg2_ref, wlin_ref,
                out_ref):
    agg = ap_ref[0] + ap_ref[1]
    d = dc_ref[0] + dc_ref[1]
    norm = lax.rsqrt(jnp.maximum(d, 1.0))
    h2 = agg * norm
    init = init_ref[...]
    z = (jnp.dot(h2, wg1_ref[...], preferred_element_type=jnp.float32)
         + jnp.dot(init, wg2_ref[...], preferred_element_type=jnp.float32)
         + bg2_ref[...])
    scale = jax.nn.sigmoid(z)
    h3 = h2 * scale + init * (1.0 - scale)
    out_ref[...] = (1.0 - BETA) * h3 + BETA * jnp.dot(
        h3, wlin_ref[...], preferred_element_type=jnp.float32)


_dense = pl.pallas_call(
    _dense_body,
    grid=(N // RB,),
    in_specs=[
        pl.BlockSpec((NC, RB, D), lambda i: (0, i, 0)),
        pl.BlockSpec((NC, RB, 1), lambda i: (0, i, 0)),
        pl.BlockSpec((RB, D), lambda i: (i, 0)),
        pl.BlockSpec((D, D), lambda i: (0, 0)),
        pl.BlockSpec((D, D), lambda i: (0, 0)),
        pl.BlockSpec((1, D), lambda i: (0, 0)),
        pl.BlockSpec((D, D), lambda i: (0, 0)),
    ],
    out_specs=pl.BlockSpec((RB, D), lambda i: (i, 0)),
    out_shape=jax.ShapeDtypeStruct((N, D), jnp.float32),
)


def kernel(features, initial_features, edge_index, W_lin, Wg1, Wg2, bg2):
    src = edge_index[0].astype(jnp.int32)
    dst = edge_index[1].astype(jnp.int32)
    pad = EPAD - E
    pad_src = jnp.arange(pad, dtype=jnp.int32) * 37 % N
    pad_dst = N + jnp.arange(pad, dtype=jnp.int32) % (NPAD - N)
    src_p = jnp.concatenate([src, pad_src])
    dst_p = jnp.concatenate([dst, pad_dst]).reshape(NW, 2, HALF, CHUNK)

    _degs_sc, _agg_sc = _sc_kernels()
    degs_p = _degs_sc(dst_p)
    degs_col = degs_p.reshape(NC, NPAD, 1)
    h = _prescale(features, degs_col)
    agg_p = _agg_sc(h, src_p, dst_p)
    return _dense(agg_p, degs_col, initial_features, Wg1.T, Wg2.T,
                  bg2.reshape(1, D), W_lin.T)

# --- scband reference (transcript-rebuilt; emitter-appended) ---
"""Pipeline reference for scband-airgcniilayer-86294482911942 (READ-ONLY COPY).

The authoritative reference and input builder live on the scoring server;
editing this copy changes nothing except your own understanding.
"""

import jax, jax.numpy as jnp
import numpy as np

N_NODES = 10000
N_EDGES = 320000
D = 128
BETA = 0.1


def setup_inputs(seed: int = 0) -> dict:
    key = jax.random.key(seed)
    k1, k2, k3, k4, k5, k6 = jax.random.split(key, 6)
    features = jax.random.normal(k1, (N_NODES, D), dtype=jnp.float32)
    initial_features = jax.random.normal(k2, (N_NODES, D), dtype=jnp.float32)
    edge_index = jax.random.randint(k3, (2, N_EDGES), 0, N_NODES, dtype=jnp.int64)
    # Xavier-uniform-ish init for linear weights (gain=1 since activation=None)
    bound = float(np.sqrt(6.0 / (D + D)))
    W_lin = jax.random.uniform(k4, (D, D), dtype=jnp.float32, minval=-bound, maxval=bound)
    Wg1 = jax.random.uniform(k5, (D, D), dtype=jnp.float32, minval=-bound, maxval=bound)
    Wg2 = jax.random.uniform(k6, (D, D), dtype=jnp.float32, minval=-bound, maxval=bound)
    bg2 = jnp.zeros((D,), dtype=jnp.float32)
    return {
        "features": features,
        "initial_features": initial_features,
        "edge_index": edge_index,
        "W_lin": W_lin,
        "Wg1": Wg1,
        "Wg2": Wg2,
        "bg2": bg2,
    }


def reference(features, initial_features, edge_index, W_lin, Wg1, Wg2, bg2):
    src = edge_index[0]
    dst = edge_index[1]
    # in-degree based symmetric normalization (graph_norm=True)
    degs = jax.ops.segment_sum(jnp.ones((src.shape[0],), dtype=jnp.float32), dst,
                               num_segments=N_NODES)
    degs = jnp.clip(degs, 1.0, None)
    norm = jnp.power(degs, -0.5)[:, None]
    h = features * norm
    # message passing: sum over incoming edges of h[src] * w (w = 1)
    agg = jnp.zeros_like(h).at[dst].add(h[src])
    h = agg * norm
    # GatedLayer (gate_alpha): scale = sigmoid(Lin1(h) + Lin2(initial))
    scale = jax.nn.sigmoid(h @ Wg1.T + initial_features @ Wg2.T + bg2)
    h = h * scale + initial_features * (1.0 - scale)
    # GCNII-style residual weight mixing (bias=False)
    h = (1.0 - BETA) * h + BETA * (h @ W_lin.T)
    # activation is None
    return h

if __name__ == "__main__":
    import jax
    _d = setup_inputs()
    print(jax.jit(kernel)(*tuple(_d.values())))

</pallas_src>

<mosaic_0001>
#map = affine_map<(d0, d1) -> (0, 0, 0, 0)>
#map1 = affine_map<(d0, d1) -> (0)>
module attributes {stable_mosaic.version = 14 : i64} {
  func.func @_degs_sc_body(%arg0: i32, %arg1: i32, %arg2: memref<32x2x54x96xi32, #tpu.memory_space<hbm>>, %arg3: memref<20224xf32, #tpu.memory_space<hbm>>, %arg4: memref<10112xf32, #tpu.memory_space<vmem_shared>>, %arg5: memref<2x54x96xi32, #tpu.memory_space<vmem>>, %arg6: memref<96xf32, #tpu.memory_space<vmem>>, %arg7: memref<640xf32, #tpu.memory_space<vmem>>) attributes {dimension_semantics = [#tpu.dimension_semantics<core_parallel>, #tpu.dimension_semantics<subcore_parallel>], iteration_bounds = array<i64: 2, 16>, scalar_prefetch = 0 : i64, scratch_operands = 4 : i64, tpu.core_type = #tpu.core_type<sc_vector_subcore>, window_params = [{transform_indices = #map}, {transform_indices = #map1}]} {
    %mul3A = arith.constant 2 : i32
    %mul3A_0 = arith.muli %arg1, %mul3A : i32
    %add3A = arith.addi %mul3A_0, %arg0 : i32
    %broadcast_in_dim3A = arith.constant 1.000000e+00 : f32
    %broadcast_in_dim3A_1 = vector.broadcast %broadcast_in_dim3A : f32 to vector<16xf32>
    %swap3A = arith.constant 0 : index
    %swap3A_2 = tpu.vector_load %arg6[%swap3A] {strides = array<i32>} : memref<96xf32, #tpu.memory_space<vmem>>, vector<16xf32>,
    %swap3A_3 = vector.shape_cast %swap3A_2 : vector<16xf32> to vector<16xf32>
    %swap3A_4 = vector.shape_cast %broadcast_in_dim3A_1 : vector<16xf32> to vector<16xf32>
    tpu.vector_store %arg6[%swap3A], %swap3A_4 {strides = array<i32>} : memref<96xf32, #tpu.memory_space<vmem>>, vector<16xf32>,
    %broadcast_in_dim3A_5 = arith.constant 1.000000e+00 : f32
    %broadcast_in_dim3A_6 = vector.broadcast %broadcast_in_dim3A_5 : f32 to vector<16xf32>
    %swap3A_7 = arith.constant 16 : index
    %swap3A_8 = tpu.vector_load %arg6[%swap3A_7] {strides = array<i32>} : memref<96xf32, #tpu.memory_space<vmem>>, vector<16xf32>,
    %swap3A_9 = vector.shape_cast %swap3A_8 : vector<16xf32> to vector<16xf32>
    %swap3A_10 = vector.shape_cast %broadcast_in_dim3A_6 : vector<16xf32> to vector<16xf32>
    tpu.vector_store %arg6[%swap3A_7], %swap3A_10 {strides = array<i32>} : memref<96xf32, #tpu.memory_space<vmem>>, vector<16xf32>,
    %broadcast_in_dim3A_11 = arith.constant 1.000000e+00 : f32
    %broadcast_in_dim3A_12 = vector.broadcast %broadcast_in_dim3A_11 : f32 to vector<16xf32>
    %swap3A_13 = arith.constant 32 : index
    %swap3A_14 = tpu.vector_load %arg6[%swap3A_13] {strides = array<i32>} : memref<96xf32, #tpu.memory_space<vmem>>, vector<16xf32>,
    %swap3A_15 = vector.shape_cast %swap3A_14 : vector<16xf32> to vector<16xf32>
    %swap3A_16 = vector.shape_cast %broadcast_in_dim3A_12 : vector<16xf32> to vector<16xf32>
    tpu.vector_store %arg6[%swap3A_13], %swap3A_16 {strides = array<i32>} : memref<96xf32, #tpu.memory_space<vmem>>, vector<16xf32>,
    %broadcast_in_dim3A_17 = arith.constant 1.000000e+00 : f32
    %broadcast_in_dim3A_18 = vector.broadcast %broadcast_in_dim3A_17 : f32 to vector<16xf32>
    %swap3A_19 = arith.constant 48 : index
    %swap3A_20 = tpu.vector_load %arg6[%swap3A_19] {strides = array<i32>} : memref<96xf32, #tpu.memory_space<vmem>>, vector<16xf32>,
    %swap3A_21 = vector.shape_cast %swap3A_20 : vector<16xf32> to vector<16xf32>
    %swap3A_22 = vector.shape_cast %broadcast_in_dim3A_18 : vector<16xf32> to vector<16xf32>
    tpu.vector_store %arg6[%swap3A_19], %swap3A_22 {strides = array<i32>} : memref<96xf32, #tpu.memory_space<vmem>>, vector<16xf32>,
    %broadcast_in_dim3A_23 = arith.constant 1.000000e+00 : f32
    %broadcast_in_dim3A_24 = vector.broadcast %broadcast_in_dim3A_23 : f32 to vector<16xf32>
    %swap3A_25 = arith.constant 64 : index
    %swap3A_26 = tpu.vector_load %arg6[%swap3A_25] {strides = array<i32>} : memref<96xf32, #tpu.memory_space<vmem>>, vector<16xf32>,
    %swap3A_27 = vector.shape_cast %swap3A_26 : vector<16xf32> to vector<16xf32>
    %swap3A_28 = vector.shape_cast %broadcast_in_dim3A_24 : vector<16xf32> to vector<16xf32>
    tpu.vector_store %arg6[%swap3A_25], %swap3A_28 {strides = array<i32>} : memref<96xf32, #tpu.memory_space<vmem>>, vector<16xf32>,
    %broadcast_in_dim3A_29 = arith.constant 1.000000e+00 : f32
    %broadcast_in_dim3A_30 = vector.broadcast %broadcast_in_dim3A_29 : f32 to vector<16xf32>
    %swap3A_31 = arith.constant 80 : index
    %swap3A_32 = tpu.vector_load %arg6[%swap3A_31] {strides = array<i32>} : memref<96xf32, #tpu.memory_space<vmem>>, vector<16xf32>,
    %swap3A_33 = vector.shape_cast %swap3A_32 : vector<16xf32> to vector<16xf32>
    %swap3A_34 = vector.shape_cast %broadcast_in_dim3A_30 : vector<16xf32> to vector<16xf32>
    tpu.vector_store %arg6[%swap3A_31], %swap3A_34 {strides = array<i32>} : memref<96xf32, #tpu.memory_space<vmem>>, vector<16xf32>,
    %scan3A = arith.constant 0 : i32
    %scan3A_35 = arith.constant 0 : i32
    %scan3A_36 = arith.constant 40 : i32
    %scan3A_37 = arith.addi %scan3A_35, %scan3A_36 : i32
    %scan3A_38 = arith.constant 1 : i32
    scf.for %scan3A_56 = %scan3A_35 to %scan3A_37 step %scan3A_38  : i32 {
      %broadcast_in_dim3A_57 = arith.constant 0.000000e+00 : f32
      %broadcast_in_dim3A_58 = vector.broadcast %broadcast_in_dim3A_57 : f32 to vector<16xf32>
      %mul3A_59 = arith.constant 16 : i32
      %mul3A_60 = arith.muli %scan3A_56, %mul3A_59 : i32
      %swap3A_61 = arith.index_cast %mul3A_60 : i32 to index
      %swap3A_62 = tpu.vector_load %arg7[%swap3A_61] {strides = array<i32>} : memref<640xf32, #tpu.memory_space<vmem>>, vector<16xf32>,
      %swap3A_63 = vector.shape_cast %swap3A_62 : vector<16xf32> to vector<16xf32>
      %swap3A_64 = vector.shape_cast %broadcast_in_dim3A_58 : vector<16xf32> to vector<16xf32>
      tpu.vector_store %arg7[%swap3A_61], %swap3A_64 {strides = array<i32>} : memref<640xf32, #tpu.memory_space<vmem>>, vector<16xf32>,
    }
    %scan3A_39 = arith.constant 40 : i32
    %mul3A_40 = arith.constant 632 : i32
    %mul3A_41 = arith.muli %arg1, %mul3A_40 : i32
    "tpu.region"() ({
      %run_scoped3A = tpu.sem_alloc : memref<!tpu.dma_semaphore, #tpu.memory_space<semaphore_mem>>
      %dma_start3A = arith.constant 0 : i32
      %dma_start3A_56 = tpu.memref_slice %arg7[%dma_start3A] : memref<640xf32, #tpu.memory_space<vmem>> -> memref<632xf32, #tpu.memory_space<vmem>>
      %dma_start3A_57 = tpu.memref_slice %arg4[%mul3A_41] : memref<10112xf32, #tpu.memory_space<vmem_shared>> -> memref<632xf32, #tpu.memory_space<vmem_shared>>
      %dma_start3A_58 = tpu.memref_slice %arg4[%mul3A_41] : memref<10112xf32, #tpu.memory_space<vmem_shared>> -> memref<632xf32, #tpu.memory_space<vmem_shared>>
      %dma_start3A_59 = arith.constant 0 : i32
      %dma_start3A_60 = tpu.memref_slice %arg7[%dma_start3A_59] : memref<640xf32, #tpu.memory_space<vmem>> -> memref<632xf32, #tpu.memory_space<vmem>>
      tpu.enqueue_dma source(%dma_start3A_60 : memref<632xf32, #tpu.memory_space<vmem>>) target(%dma_start3A_58 : memref<632xf32, #tpu.memory_space<vmem_shared>>) target_semaphore(%run_scoped3A : memref<!tpu.dma_semaphore, #tpu.memory_space<semaphore_mem>>)
      %dma_wait3A = arith.constant 0 : i32
      %dma_wait3A_61 = tpu.memref_slice %arg7[%dma_wait3A] : memref<640xf32, #tpu.memory_space<vmem>> -> memref<632xf32, #tpu.memory_space<vmem>>
      %dma_wait3A_62 = tpu.memref_slice %arg4[%mul3A_41] : memref<10112xf32, #tpu.memory_space<vmem_shared>> -> memref<632xf32, #tpu.memory_space<vmem_shared>>
      %dma_wait3A_63 = tpu.memref_slice %arg4[%mul3A_41] : memref<10112xf32, #tpu.memory_space<vmem_shared>> -> memref<632xf32, #tpu.memory_space<vmem_shared>>
      %dma_wait3A_64 = arith.constant 0 : i32
      %dma_wait3A_65 = tpu.memref_slice %arg7[%dma_wait3A_64] : memref<640xf32, #tpu.memory_space<vmem>> -> memref<632xf32, #tpu.memory_space<vmem>>
      tpu.wait_dma2 semaphore(%run_scoped3A : memref<!tpu.dma_semaphore, #tpu.memory_space<semaphore_mem>>) src(%dma_wait3A_65 : memref<632xf32, #tpu.memory_space<vmem>>) dst(%dma_wait3A_63 : memref<632xf32, #tpu.memory_space<vmem_shared>>)
      tpu.yield
    }) : () -> ()
    "tpu.region"() ({
      %run_scoped3A = tpu.sem_alloc : memref<!tpu.dma_semaphore, #tpu.memory_space<semaphore_mem>>
      %dma_start3A = arith.constant 0 : i32
      %dma_start3A_56 = arith.constant 0 : i32
      %dma_start3A_57 = arith.constant 0 : i32
      %dma_start3A_58 = tpu.memref_slice %arg2[%add3A, %dma_start3A, %dma_start3A_56, %dma_start3A_57] : memref<32x2x54x96xi32, #tpu.memory_space<hbm>> -> memref<1x2x54x96xi32, #tpu.memory_space<hbm>>
      %dma_start3A_59 = tpu.memref_squeeze %dma_start3A_58 : memref<1x2x54x96xi32, #tpu.memory_space<hbm>> -> memref<2x54x96xi32, #tpu.memory_space<hbm>>
      %dma_start3A_60 = arith.constant 0 : i32
      %dma_start3A_61 = arith.constant 0 : i32
      %dma_start3A_62 = arith.constant 0 : i32
      %dma_start3A_63 = tpu.memref_slice %arg2[%add3A, %dma_start3A_60, %dma_start3A_61, %dma_start3A_62] : memref<32x2x54x96xi32, #tpu.memory_space<hbm>> -> memref<1x2x54x96xi32, #tpu.memory_space<hbm>>
      %dma_start3A_64 = tpu.memref_squeeze %dma_start3A_63 : memref<1x2x54x96xi32, #tpu.memory_space<hbm>> -> memref<2x54x96xi32, #tpu.memory_space<hbm>>
      tpu.enqueue_dma source(%dma_start3A_64 : memref<2x54x96xi32, #tpu.memory_space<hbm>>) target(%arg5 : memref<2x54x96xi32, #tpu.memory_space<vmem>>) target_semaphore(%run_scoped3A : memref<!tpu.dma_semaphore, #tpu.memory_space<semaphore_mem>>)
      %dma_wait3A = arith.constant 0 : i32
      %dma_wait3A_65 = arith.constant 0 : i32
      %dma_wait3A_66 = arith.constant 0 : i32
      %dma_wait3A_67 = tpu.memref_slice %arg2[%add3A, %dma_wait3A, %dma_wait3A_65, %dma_wait3A_66] : memref<32x2x54x96xi32, #tpu.memory_space<hbm>> -> memref<1x2x54x96xi32, #tpu.memory_space<hbm>>
      %dma_wait3A_68 = tpu.memref_squeeze %dma_wait3A_67 : memref<1x2x54x96xi32, #tpu.memory_space<hbm>> -> memref<2x54x96xi32, #tpu.memory_space<hbm>>
      %dma_wait3A_69 = arith.constant 0 : i32
      %dma_wait3A_70 = arith.constant 0 : i32
      %dma_wait3A_71 = arith.constant 0 : i32
      %dma_wait3A_72 = tpu.memref_slice %arg2[%add3A, %dma_wait3A_69, %dma_wait3A_70, %dma_wait3A_71] : memref<32x2x54x96xi32, #tpu.memory_space<hbm>> -> memref<1x2x54x96xi32, #tpu.memory_space<hbm>>
      %dma_wait3A_73 = tpu.memref_squeeze %dma_wait3A_72 : memref<1x2x54x96xi32, #tpu.memory_space<hbm>> -> memref<2x54x96xi32, #tpu.memory_space<hbm>>
      tpu.wait_dma2 semaphore(%run_scoped3A : memref<!tpu.dma_semaphore, #tpu.memory_space<semaphore_mem>>) src(%dma_wait3A_73 : memref<2x54x96xi32, #tpu.memory_space<hbm>>) dst(%arg5 : memref<2x54x96xi32, #tpu.memory_space<vmem>>)
      tpu.yield
    }) : () -> ()
    %barrier3A = arith.constant 0 : index
    tpu.barrier barrier_id(%barrier3A)
    %scan3A_42 = arith.constant 0 : i32
    %scan3A_43 = arith.constant 0 : i32
    %scan3A_44 = arith.constant 2 : i32
    %scan3A_45 = arith.addi %scan3A_43, %scan3A_44 : i32
    %scan3A_46 = arith.constant 1 : i32
    scf.for %scan3A_56 = %scan3A_43 to %scan3A_45 step %scan3A_46  : i32 {
      %scan3A_57 = arith.constant 0 : i32
      %scan3A_58 = arith.constant 0 : i32
      %scan3A_59 = arith.constant 54 : i32
      %scan3A_60 = arith.addi %scan3A_58, %scan3A_59 : i32
      %scan3A_61 = arith.constant 1 : i32
      scf.for %scan3A_63 = %scan3A_58 to %scan3A_60 step %scan3A_61  : i32 {
        "tpu.region"() ({
          %run_scoped3A = tpu.sem_alloc : memref<!tpu.dma_semaphore, #tpu.memory_space<semaphore_mem>>
          %dma_start3A = arith.constant 0 : i32
          %dma_start3A_64 = tpu.memref_slice %arg5[%scan3A_56, %scan3A_63, %dma_start3A] : memref<2x54x96xi32, #tpu.memory_space<vmem>> -> memref<1x1x96xi32, #tpu.memory_space<vmem>>
          %dma_start3A_65 = tpu.memref_squeeze %dma_start3A_64 : memref<1x1x96xi32, #tpu.memory_space<vmem>> -> memref<96xi32, #tpu.memory_space<vmem>>
          %dma_start3A_66 = arith.constant 0 : i32
          %dma_start3A_67 = tpu.memref_slice %arg4[%dma_start3A_66] : memref<10112xf32, #tpu.memory_space<vmem_shared>> -> memref<10112xf32, #tpu.memory_space<vmem_shared>>
          tpu.enqueue_indirect_dma source(%arg6 : memref<96xf32, #tpu.memory_space<vmem>>) target(%dma_start3A_67 : memref<10112xf32, #tpu.memory_space<vmem_shared>>) offsets(%dma_start3A_65 : memref<96xi32, #tpu.memory_space<vmem>>) semaphore(%run_scoped3A : memref<!tpu.dma_semaphore, #tpu.memory_space<semaphore_mem>>) {add = true}
          %dma_wait3A = arith.constant 0 : i32
          %dma_wait3A_68 = tpu.memref_slice %arg5[%scan3A_56, %scan3A_63, %dma_wait3A] : memref<2x54x96xi32, #tpu.memory_space<vmem>> -> memref<1x1x96xi32, #tpu.memory_space<vmem>>
          %dma_wait3A_69 = tpu.memref_squeeze %dma_wait3A_68 : memref<1x1x96xi32, #tpu.memory_space<vmem>> -> memref<96xi32, #tpu.memory_space<vmem>>
          %dma_wait3A_70 = arith.constant 0 : i32
          %dma_wait3A_71 = tpu.memref_slice %arg4[%dma_wait3A_70] : memref<10112xf32, #tpu.memory_space<vmem_shared>> -> memref<10112xf32, #tpu.memory_space<vmem_shared>>
          tpu.wait_indirect_dma semaphore(%run_scoped3A : memref<!tpu.dma_semaphore, #tpu.memory_space<semaphore_mem>>) src(%arg6 : memref<96xf32, #tpu.memory_space<vmem>>) dst(%dma_wait3A_71 : memref<10112xf32, #tpu.memory_space<vmem_shared>>)
          tpu.yield
        }) : () -> ()
      }
      %scan3A_62 = arith.constant 54 : i32
    }
    %scan3A_47 = arith.constant 2 : i32
    %barrier3A_48 = arith.constant 0 : index
    tpu.barrier barrier_id(%barrier3A_48)
    %mul3A_49 = arith.constant 632 : i32
    %mul3A_50 = arith.muli %arg1, %mul3A_49 : i32
    "tpu.region"() ({
      %run_scoped3A = tpu.sem_alloc : memref<!tpu.dma_semaphore, #tpu.memory_space<semaphore_mem>>
      %dma_start3A = arith.constant 0 : i32
      %dma_start3A_56 = tpu.memref_slice %arg7[%dma_start3A] : memref<640xf32, #tpu.memory_space<vmem>> -> memref<632xf32, #tpu.memory_space<vmem>>
      %dma_start3A_57 = tpu.memref_slice %arg4[%mul3A_50] : memref<10112xf32, #tpu.memory_space<vmem_shared>> -> memref<632xf32, #tpu.memory_space<vmem_shared>>
      %dma_start3A_58 = arith.constant 0 : i32
      %dma_start3A_59 = tpu.memref_slice %arg7[%dma_start3A_58] : memref<640xf32, #tpu.memory_space<vmem>> -> memref<632xf32, #tpu.memory_space<vmem>>
      %dma_start3A_60 = tpu.memref_slice %arg4[%mul3A_50] : memref<10112xf32, #tpu.memory_space<vmem_shared>> -> memref<632xf32, #tpu.memory_space<vmem_shared>>
      tpu.enqueue_dma source(%dma_start3A_60 : memref<632xf32, #tpu.memory_space<vmem_shared>>) target(%dma_start3A_59 : memref<632xf32, #tpu.memory_space<vmem>>) target_semaphore(%run_scoped3A : memref<!tpu.dma_semaphore, #tpu.memory_space<semaphore_mem>>)
      %dma_wait3A = arith.constant 0 : i32
      %dma_wait3A_61 = tpu.memref_slice %arg7[%dma_wait3A] : memref<640xf32, #tpu.memory_space<vmem>> -> memref<632xf32, #tpu.memory_space<vmem>>
      %dma_wait3A_62 = tpu.memref_slice %arg4[%mul3A_50] : memref<10112xf32, #tpu.memory_space<vmem_shared>> -> memref<632xf32, #tpu.memory_space<vmem_shared>>
      %dma_wait3A_63 = arith.constant 0 : i32
      %dma_wait3A_64 = tpu.memref_slice %arg7[%dma_wait3A_63] : memref<640xf32, #tpu.memory_space<vmem>> -> memref<632xf32, #tpu.memory_space<vmem>>
      %dma_wait3A_65 = tpu.memref_slice %arg4[%mul3A_50] : memref<10112xf32, #tpu.memory_space<vmem_shared>> -> memref<632xf32, #tpu.memory_space<vmem_shared>>
      tpu.wait_dma2 semaphore(%run_scoped3A : memref<!tpu.dma_semaphore, #tpu.memory_space<semaphore_mem>>) src(%dma_wait3A_65 : memref<632xf32, #tpu.memory_space<vmem_shared>>) dst(%dma_wait3A_64 : memref<632xf32, #tpu.memory_space<vmem>>)
      tpu.yield
    }) : () -> ()
    %mul3A_51 = arith.constant 10112 : i32
    %mul3A_52 = arith.muli %arg0, %mul3A_51 : i32
    %mul3A_53 = arith.constant 632 : i32
    %mul3A_54 = arith.muli %arg1, %mul3A_53 : i32
    %add3A_55 = arith.addi %mul3A_52, %mul3A_54 : i32
    "tpu.region"() ({
      %run_scoped3A = tpu.sem_alloc : memref<!tpu.dma_semaphore, #tpu.memory_space<semaphore_mem>>
      %dma_start3A = arith.constant 0 : i32
      %dma_start3A_56 = tpu.memref_slice %arg7[%dma_start3A] : memref<640xf32, #tpu.memory_space<vmem>> -> memref<632xf32, #tpu.memory_space<vmem>>
      %dma_start3A_57 = tpu.memref_slice %arg3[%add3A_55] : memref<20224xf32, #tpu.memory_space<hbm>> -> memref<632xf32, #tpu.memory_space<hbm>>
      %dma_start3A_58 = tpu.memref_slice %arg3[%add3A_55] : memref<20224xf32, #tpu.memory_space<hbm>> -> memref<632xf32, #tpu.memory_space<hbm>>
      %dma_start3A_59 = arith.constant 0 : i32
      %dma_start3A_60 = tpu.memref_slice %arg7[%dma_start3A_59] : memref<640xf32, #tpu.memory_space<vmem>> -> memref<632xf32, #tpu.memory_space<vmem>>
      tpu.enqueue_dma source(%dma_start3A_60 : memref<632xf32, #tpu.memory_space<vmem>>) target(%dma_start3A_58 : memref<632xf32, #tpu.memory_space<hbm>>) target_semaphore(%run_scoped3A : memref<!tpu.dma_semaphore, #tpu.memory_space<semaphore_mem>>)
      %dma_wait3A = arith.constant 0 : i32
      %dma_wait3A_61 = tpu.memref_slice %arg7[%dma_wait3A] : memref<640xf32, #tpu.memory_space<vmem>> -> memref<632xf32, #tpu.memory_space<vmem>>
      %dma_wait3A_62 = tpu.memref_slice %arg3[%add3A_55] : memref<20224xf32, #tpu.memory_space<hbm>> -> memref<632xf32, #tpu.memory_space<hbm>>
      %dma_wait3A_63 = tpu.memref_slice %arg3[%add3A_55] : memref<20224xf32, #tpu.memory_space<hbm>> -> memref<632xf32, #tpu.memory_space<hbm>>
      %dma_wait3A_64 = arith.constant 0 : i32
      %dma_wait3A_65 = tpu.memref_slice %arg7[%dma_wait3A_64] : memref<640xf32, #tpu.memory_space<vmem>> -> memref<632xf32, #tpu.memory_space<vmem>>
      tpu.wait_dma2 semaphore(%run_scoped3A : memref<!tpu.dma_semaphore, #tpu.memory_space<semaphore_mem>>) src(%dma_wait3A_65 : memref<632xf32, #tpu.memory_space<vmem>>) dst(%dma_wait3A_63 : memref<632xf32, #tpu.memory_space<hbm>>)
      tpu.yield
    }) : () -> ()
    return
  }
}

#map = affine_map<(d0, d1) -> (0, 0)>
#map1 = affine_map<(d0, d1) -> (0)>
#map2 = affine_map<(d0, d1) -> (0, 0, 0, 0)>
#map3 = affine_map<(d0, d1) -> (0, 0, 0)>
module attributes {stable_mosaic.version = 14 : i64} {
  func.func @_agg_sc_body(%arg0: i32, %arg1: i32, %arg2: memref<10000x128xf32, #tpu.memory_space<hbm>>, %arg3: memref<331776xi32, #tpu.memory_space<hbm>>, %arg4: memref<32x2x54x96xi32, #tpu.memory_space<hbm>>, %arg5: memref<2x10112x128xf32, #tpu.memory_space<hbm>>, %arg6: memref<10112x128xf32, #tpu.memory_space<vmem_shared>>, %arg7: memref<5184xi32, #tpu.memory_space<vmem>>, %arg8: memref<54x96xi32, #tpu.memory_space<vmem>>, %arg9: memref<3x96x128xf32, #tpu.memory_space<vmem>>, %arg10: memref<!tpu.dma_semaphore, #tpu.memory_space<semaphore_mem>>, %arg11: memref<!tpu.dma_semaphore, #tpu.memory_space<semaphore_mem>>, %arg12: memref<!tpu.dma_semaphore, #tpu.memory_space<semaphore_mem>>) attributes {dimension_semantics = [#tpu.dimension_semantics<core_parallel>, #tpu.dimension_semantics<subcore_parallel>], iteration_bounds = array<i64: 2, 16>, scalar_prefetch = 0 : i64, scratch_operands = 7 : i64, tpu.core_type = #tpu.core_type<sc_vector_subcore>, window_params = [{transform_indices = #map}, {transform_indices = #map1}, {transform_indices = #map2}, {transform_indices = #map3}]} {
    %mul3A = arith.constant 2 : i32
    %mul3A_0 = arith.muli %arg1, %mul3A : i32
    %add3A = arith.addi %mul3A_0, %arg0 : i32
    %scan3A = arith.constant 0 : i32
    %scan3A_1 = arith.constant 0 : i32
    %scan3A_2 = arith.constant 288 : i32
    %scan3A_3 = arith.addi %scan3A_1, %scan3A_2 : i32
    %scan3A_4 = arith.constant 1 : i32
    scf.for %scan3A_118 = %scan3A_1 to %scan3A_3 step %scan3A_4  : i32 {
      %jit3A = arith.constant 96 : i32
      %div3A = arith.divsi %scan3A_118, %jit3A : i32
      %sign3A = arith.constant 0 : i32
      %sign3A_119 = arith.cmpi sgt, %scan3A_118, %sign3A : i32
      %sign3A_120 = arith.extui %sign3A_119 : i1 to i32
      %sign3A_121 = arith.constant 0 : i32
      %sign3A_122 = arith.cmpi slt, %scan3A_118, %sign3A_121 : i32
      %sign3A_123 = arith.extui %sign3A_122 : i1 to i32
      %sign3A_124 = arith.subi %sign3A_120, %sign3A_123 : i32
      %sign3A_125 = arith.constant 0 : i32
      %sign3A_126 = arith.cmpi sgt, %jit3A, %sign3A_125 : i32
      %sign3A_127 = arith.extui %sign3A_126 : i1 to i32
      %sign3A_128 = arith.constant 0 : i32
      %sign3A_129 = arith.cmpi slt, %jit3A, %sign3A_128 : i32
      %sign3A_130 = arith.extui %sign3A_129 : i1 to i32
      %sign3A_131 = arith.subi %sign3A_127, %sign3A_130 : i32
      %ne3A = arith.cmpi ne, %sign3A_124, %sign3A_131 : i32
      %rem3A = arith.remsi %scan3A_118, %jit3A : i32
      %ne3A_132 = arith.constant 0 : i32
      %ne3A_133 = arith.cmpi ne, %rem3A, %ne3A_132 : i32
      %and3A = arith.andi %ne3A, %ne3A_133 : i1
      %sub3A = arith.constant 1 : i32
      %sub3A_134 = arith.subi %div3A, %sub3A : i32
      %select_n3A = arith.select %and3A, %sub3A_134, %div3A : i32
      %jit3A_135 = arith.constant 96 : i32
      %eq3A = arith.constant 0 : i32
      %eq3A_136 = arith.cmpi eq, %jit3A_135, %eq3A : i32
      %jit3A_137 = arith.constant 1 : i32
      %select_n3A_138 = arith.select %eq3A_136, %jit3A_137, %jit3A_135 : i32
      %rem3A_139 = arith.remsi %scan3A_118, %select_n3A_138 : i32
      %ne3A_140 = arith.constant 0 : i32
      %ne3A_141 = arith.cmpi ne, %rem3A_139, %ne3A_140 : i32
      %lt3A = arith.constant 0 : i32
      %lt3A_142 = arith.cmpi slt, %rem3A_139, %lt3A : i32
      %lt3A_143 = arith.constant 0 : i32
      %lt3A_144 = arith.cmpi slt, %select_n3A_138, %lt3A_143 : i32
      %ne3A_145 = arith.xori %lt3A_142, %lt3A_144 : i1
      %and3A_146 = arith.andi %ne3A_145, %ne3A_141 : i1
      %add3A_147 = arith.addi %rem3A_139, %select_n3A_138 : i32
      %select_n3A_148 = arith.select %and3A_146, %add3A_147, %rem3A_139 : i32
      %broadcast_in_dim3A = arith.constant 0.000000e+00 : f32
      %broadcast_in_dim3A_149 = vector.broadcast %broadcast_in_dim3A : f32 to vector<16xf32>
      %swap3A = arith.index_cast %select_n3A : i32 to index
      %swap3A_150 = arith.index_cast %select_n3A_148 : i32 to index
      %swap3A_151 = arith.constant 0 : index
      %swap3A_152 = tpu.vector_load %arg9[%swap3A, %swap3A_150, %swap3A_151] {strides = array<i32>} : memref<3x96x128xf32, #tpu.memory_space<vmem>>, vector<1x1x16xf32>,
      %swap3A_153 = vector.shape_cast %swap3A_152 : vector<1x1x16xf32> to vector<16xf32>
      %swap3A_154 = vector.shape_cast %broadcast_in_dim3A_149 : vector<16xf32> to vector<1x1x16xf32>
      tpu.vector_store %arg9[%swap3A, %swap3A_150, %swap3A_151], %swap3A_154 {strides = array<i32>} : memref<3x96x128xf32, #tpu.memory_space<vmem>>, vector<1x1x16xf32>,
      %broadcast_in_dim3A_155 = arith.constant 0.000000e+00 : f32
      %broadcast_in_dim3A_156 = vector.broadcast %broadcast_in_dim3A_155 : f32 to vector<16xf32>
      %swap3A_157 = arith.index_cast %select_n3A : i32 to index
      %swap3A_158 = arith.index_cast %select_n3A_148 : i32 to index
      %swap3A_159 = arith.constant 16 : index
      %swap3A_160 = tpu.vector_load %arg9[%swap3A_157, %swap3A_158, %swap3A_159] {strides = array<i32>} : memref<3x96x128xf32, #tpu.memory_space<vmem>>, vector<1x1x16xf32>,
      %swap3A_161 = vector.shape_cast %swap3A_160 : vector<1x1x16xf32> to vector<16xf32>
      %swap3A_162 = vector.shape_cast %broadcast_in_dim3A_156 : vector<16xf32> to vector<1x1x16xf32>
      tpu.vector_store %arg9[%swap3A_157, %swap3A_158, %swap3A_159], %swap3A_162 {strides = array<i32>} : memref<3x96x128xf32, #tpu.memory_space<vmem>>, vector<1x1x16xf32>,
      %broadcast_in_dim3A_163 = arith.constant 0.000000e+00 : f32
      %broadcast_in_dim3A_164 = vector.broadcast %broadcast_in_dim3A_163 : f32 to vector<16xf32>
      %swap3A_165 = arith.index_cast %select_n3A : i32 to index
      %swap3A_166 = arith.index_cast %select_n3A_148 : i32 to index
      %swap3A_167 = arith.constant 32 : index
      %swap3A_168 = tpu.vector_load %arg9[%swap3A_165, %swap3A_166, %swap3A_167] {strides = array<i32>} : memref<3x96x128xf32, #tpu.memory_space<vmem>>, vector<1x1x16xf32>,
      %swap3A_169 = vector.shape_cast %swap3A_168 : vector<1x1x16xf32> to vector<16xf32>
      %swap3A_170 = vector.shape_cast %broadcast_in_dim3A_164 : vector<16xf32> to vector<1x1x16xf32>
      tpu.vector_store %arg9[%swap3A_165, %swap3A_166, %swap3A_167], %swap3A_170 {strides = array<i32>} : memref<3x96x128xf32, #tpu.memory_space<vmem>>, vector<1x1x16xf32>,
      %broadcast_in_dim3A_171 = arith.constant 0.000000e+00 : f32
      %broadcast_in_dim3A_172 = vector.broadcast %broadcast_in_dim3A_171 : f32 to vector<16xf32>
      %swap3A_173 = arith.index_cast %select_n3A : i32 to index
      %swap3A_174 = arith.index_cast %select_n3A_148 : i32 to index
      %swap3A_175 = arith.constant 48 : index
      %swap3A_176 = tpu.vector_load %arg9[%swap3A_173, %swap3A_174, %swap3A_175] {strides = array<i32>} : memref<3x96x128xf32, #tpu.memory_space<vmem>>, vector<1x1x16xf32>,
      %swap3A_177 = vector.shape_cast %swap3A_176 : vector<1x1x16xf32> to vector<16xf32>
      %swap3A_178 = vector.shape_cast %broadcast_in_dim3A_172 : vector<16xf32> to vector<1x1x16xf32>
      tpu.vector_store %arg9[%swap3A_173, %swap3A_174, %swap3A_175], %swap3A_178 {strides = array<i32>} : memref<3x96x128xf32, #tpu.memory_space<vmem>>, vector<1x1x16xf32>,
      %broadcast_in_dim3A_179 = arith.constant 0.000000e+00 : f32
      %broadcast_in_dim3A_180 = vector.broadcast %broadcast_in_dim3A_179 : f32 to vector<16xf32>
      %swap3A_181 = arith.index_cast %select_n3A : i32 to index
      %swap3A_182 = arith.index_cast %select_n3A_148 : i32 to index
      %swap3A_183 = arith.constant 64 : index
      %swap3A_184 = tpu.vector_load %arg9[%swap3A_181, %swap3A_182, %swap3A_183] {strides = array<i32>} : memref<3x96x128xf32, #tpu.memory_space<vmem>>, vector<1x1x16xf32>,
      %swap3A_185 = vector.shape_cast %swap3A_184 : vector<1x1x16xf32> to vector<16xf32>
      %swap3A_186 = vector.shape_cast %broadcast_in_dim3A_180 : vector<16xf32> to vector<1x1x16xf32>
      tpu.vector_store %arg9[%swap3A_181, %swap3A_182, %swap3A_183], %swap3A_186 {strides = array<i32>} : memref<3x96x128xf32, #tpu.memory_space<vmem>>, vector<1x1x16xf32>,
      %broadcast_in_dim3A_187 = arith.constant 0.000000e+00 : f32
      %broadcast_in_dim3A_188 = vector.broadcast %broadcast_in_dim3A_187 : f32 to vector<16xf32>
      %swap3A_189 = arith.index_cast %select_n3A : i32 to index
      %swap3A_190 = arith.index_cast %select_n3A_148 : i32 to index
      %swap3A_191 = arith.constant 80 : index
      %swap3A_192 = tpu.vector_load %arg9[%swap3A_189, %swap3A_190, %swap3A_191] {strides = array<i32>} : memref<3x96x128xf32, #tpu.memory_space<vmem>>, vector<1x1x16xf32>,
      %swap3A_193 = vector.shape_cast %swap3A_192 : vector<1x1x16xf32> to vector<16xf32>
      %swap3A_194 = vector.shape_cast %broadcast_in_dim3A_188 : vector<16xf32> to vector<1x1x16xf32>
      tpu.vector_store %arg9[%swap3A_189, %swap3A_190, %swap3A_191], %swap3A_194 {strides = array<i32>} : memref<3x96x128xf32, #tpu.memory_space<vmem>>, vector<1x1x16xf32>,
      %broadcast_in_dim3A_195 = arith.constant 0.000000e+00 : f32
      %broadcast_in_dim3A_196 = vector.broadcast %broadcast_in_dim3A_195 : f32 to vector<16xf32>
      %swap3A_197 = arith.index_cast %select_n3A : i32 to index
      %swap3A_198 = arith.index_cast %select_n3A_148 : i32 to index
      %swap3A_199 = arith.constant 96 : index
      %swap3A_200 = tpu.vector_load %arg9[%swap3A_197, %swap3A_198, %swap3A_199] {strides = array<i32>} : memref<3x96x128xf32, #tpu.memory_space<vmem>>, vector<1x1x16xf32>,
      %swap3A_201 = vector.shape_cast %swap3A_200 : vector<1x1x16xf32> to vector<16xf32>
      %swap3A_202 = vector.shape_cast %broadcast_in_dim3A_196 : vector<16xf32> to vector<1x1x16xf32>
      tpu.vector_store %arg9[%swap3A_197, %swap3A_198, %swap3A_199], %swap3A_202 {strides = array<i32>} : memref<3x96x128xf32, #tpu.memory_space<vmem>>, vector<1x1x16xf32>,
      %broadcast_in_dim3A_203 = arith.constant 0.000000e+00 : f32
      %broadcast_in_dim3A_204 = vector.broadcast %broadcast_in_dim3A_203 : f32 to vector<16xf32>
      %swap3A_205 = arith.index_cast %select_n3A : i32 to index
      %swap3A_206 = arith.index_cast %select_n3A_148 : i32 to index
      %swap3A_207 = arith.constant 112 : index
      %swap3A_208 = tpu.vector_load %arg9[%swap3A_205, %swap3A_206, %swap3A_207] {strides = array<i32>} : memref<3x96x128xf32, #tpu.memory_space<vmem>>, vector<1x1x16xf32>,
      %swap3A_209 = vector.shape_cast %swap3A_208 : vector<1x1x16xf32> to vector<16xf32>
      %swap3A_210 = vector.shape_cast %broadcast_in_dim3A_204 : vector<16xf32> to vector<1x1x16xf32>
      tpu.vector_store %arg9[%swap3A_205, %swap3A_206, %swap3A_207], %swap3A_210 {strides = array<i32>} : memref<3x96x128xf32, #tpu.memory_space<vmem>>, vector<1x1x16xf32>,
    }
    %scan3A_5 = arith.constant 288 : i32
    %mul3A_6 = arith.constant 632 : i32
    %mul3A_7 = arith.muli %arg1, %mul3A_6 : i32
    %add3A_8 = arith.constant 0 : i32
    %add3A_9 = arith.addi %mul3A_7, %add3A_8 : i32
    %run_scoped3A = arith.constant 0 : i32
    "tpu.region"() ({
      %run_scoped3A_118 = tpu.sem_alloc : memref<!tpu.dma_semaphore, #tpu.memory_space<semaphore_mem>>
      %dma_start3A_119 = arith.constant 0 : i32
      %dma_start3A_120 = arith.constant 0 : i32
      %dma_start3A_121 = tpu.memref_slice %arg9[%run_scoped3A, %dma_start3A_119, %dma_start3A_120] : memref<3x96x128xf32, #tpu.memory_space<vmem>> -> memref<1x96x128xf32, #tpu.memory_space<vmem>>
      %dma_start3A_122 = tpu.memref_squeeze %dma_start3A_121 : memref<1x96x128xf32, #tpu.memory_space<vmem>> -> memref<96x128xf32, #tpu.memory_space<vmem>>
      %dma_start3A_123 = arith.constant 0 : i32
      %dma_start3A_124 = tpu.memref_slice %arg6[%add3A_9, %dma_start3A_123] : memref<10112x128xf32, #tpu.memory_space<vmem_shared>> -> memref<96x128xf32, #tpu.memory_space<vmem_shared>>
      %dma_start3A_125 = arith.constant 0 : i32
      %dma_start3A_126 = tpu.memref_slice %arg6[%add3A_9, %dma_start3A_125] : memref<10112x128xf32, #tpu.memory_space<vmem_shared>> -> memref<96x128xf32, #tpu.memory_space<vmem_shared>>
      %dma_start3A_127 = arith.constant 0 : i32
      %dma_start3A_128 = arith.constant 0 : i32
      %dma_start3A_129 = tpu.memref_slice %arg9[%run_scoped3A, %dma_start3A_127, %dma_start3A_128] : memref<3x96x128xf32, #tpu.memory_space<vmem>> -> memref<1x96x128xf32, #tpu.memory_space<vmem>>
      %dma_start3A_130 = tpu.memref_squeeze %dma_start3A_129 : memref<1x96x128xf32, #tpu.memory_space<vmem>> -> memref<96x128xf32, #tpu.memory_space<vmem>>
      tpu.enqueue_dma source(%dma_start3A_130 : memref<96x128xf32, #tpu.memory_space<vmem>>) target(%dma_start3A_126 : memref<96x128xf32, #tpu.memory_space<vmem_shared>>) target_semaphore(%run_scoped3A_118 : memref<!tpu.dma_semaphore, #tpu.memory_space<semaphore_mem>>)
      %dma_wait3A = arith.constant 0 : i32
      %dma_wait3A_131 = arith.constant 0 : i32
      %dma_wait3A_132 = tpu.memref_slice %arg9[%run_scoped3A, %dma_wait3A, %dma_wait3A_131] : memref<3x96x128xf32, #tpu.memory_space<vmem>> -> memref<1x96x128xf32, #tpu.memory_space<vmem>>
      %dma_wait3A_133 = tpu.memref_squeeze %dma_wait3A_132 : memref<1x96x128xf32, #tpu.memory_space<vmem>> -> memref<96x128xf32, #tpu.memory_space<vmem>>
      %dma_wait3A_134 = arith.constant 0 : i32
      %dma_wait3A_135 = tpu.memref_slice %arg6[%add3A_9, %dma_wait3A_134] : memref<10112x128xf32, #tpu.memory_space<vmem_shared>> -> memref<96x128xf32, #tpu.memory_space<vmem_shared>>
      %dma_wait3A_136 = arith.constant 0 : i32
      %dma_wait3A_137 = tpu.memref_slice %arg6[%add3A_9, %dma_wait3A_136] : memref<10112x128xf32, #tpu.memory_space<vmem_shared>> -> memref<96x128xf32, #tpu.memory_space<vmem_shared>>
      %dma_wait3A_138 = arith.constant 0 : i32
      %dma_wait3A_139 = arith.constant 0 : i32
      %dma_wait3A_140 = tpu.memref_slice %arg9[%run_scoped3A, %dma_wait3A_138, %dma_wait3A_139] : memref<3x96x128xf32, #tpu.memory_space<vmem>> -> memref<1x96x128xf32, #tpu.memory_space<vmem>>
      %dma_wait3A_141 = tpu.memref_squeeze %dma_wait3A_140 : memref<1x96x128xf32, #tpu.memory_space<vmem>> -> memref<96x128xf32, #tpu.memory_space<vmem>>
      tpu.wait_dma2 semaphore(%run_scoped3A_118 : memref<!tpu.dma_semaphore, #tpu.memory_space<semaphore_mem>>) src(%dma_wait3A_141 : memref<96x128xf32, #tpu.memory_space<vmem>>) dst(%dma_wait3A_137 : memref<96x128xf32, #tpu.memory_space<vmem_shared>>)
      tpu.yield
    }) : () -> ()
    %add3A_10 = arith.constant 96 : i32
    %add3A_11 = arith.addi %mul3A_7, %add3A_10 : i32
    %run_scoped3A_12 = arith.constant 0 : i32
    "tpu.region"() ({
      %run_scoped3A_118 = tpu.sem_alloc : memref<!tpu.dma_semaphore, #tpu.memory_space<semaphore_mem>>
      %dma_start3A_119 = arith.constant 0 : i32
      %dma_start3A_120 = arith.constant 0 : i32
      %dma_start3A_121 = tpu.memref_slice %arg9[%run_scoped3A_12, %dma_start3A_119, %dma_start3A_120] : memref<3x96x128xf32, #tpu.memory_space<vmem>> -> memref<1x96x128xf32, #tpu.memory_space<vmem>>
      %dma_start3A_122 = tpu.memref_squeeze %dma_start3A_121 : memref<1x96x128xf32, #tpu.memory_space<vmem>> -> memref<96x128xf32, #tpu.memory_space<vmem>>
      %dma_start3A_123 = arith.constant 0 : i32
      %dma_start3A_124 = tpu.memref_slice %arg6[%add3A_11, %dma_start3A_123] : memref<10112x128xf32, #tpu.memory_space<vmem_shared>> -> memref<96x128xf32, #tpu.memory_space<vmem_shared>>
      %dma_start3A_125 = arith.constant 0 : i32
      %dma_start3A_126 = tpu.memref_slice %arg6[%add3A_11, %dma_start3A_125] : memref<10112x128xf32, #tpu.memory_space<vmem_shared>> -> memref<96x128xf32, #tpu.memory_space<vmem_shared>>
      %dma_start3A_127 = arith.constant 0 : i32
      %dma_start3A_128 = arith.constant 0 : i32
      %dma_start3A_129 = tpu.memref_slice %arg9[%run_scoped3A_12, %dma_start3A_127, %dma_start3A_128] : memref<3x96x128xf32, #tpu.memory_space<vmem>> -> memref<1x96x128xf32, #tpu.memory_space<vmem>>
      %dma_start3A_130 = tpu.memref_squeeze %dma_start3A_129 : memref<1x96x128xf32, #tpu.memory_space<vmem>> -> memref<96x128xf32, #tpu.memory_space<vmem>>
      tpu.enqueue_dma source(%dma_start3A_130 : memref<96x128xf32, #tpu.memory_space<vmem>>) target(%dma_start3A_126 : memref<96x128xf32, #tpu.memory_space<vmem_shared>>) target_semaphore(%run_scoped3A_118 : memref<!tpu.dma_semaphore, #tpu.memory_space<semaphore_mem>>)
      %dma_wait3A = arith.constant 0 : i32
      %dma_wait3A_131 = arith.constant 0 : i32
      %dma_wait3A_132 = tpu.memref_slice %arg9[%run_scoped3A_12, %dma_wait3A, %dma_wait3A_131] : memref<3x96x128xf32, #tpu.memory_space<vmem>> -> memref<1x96x128xf32, #tpu.memory_space<vmem>>
      %dma_wait3A_133 = tpu.memref_squeeze %dma_wait3A_132 : memref<1x96x128xf32, #tpu.memory_space<vmem>> -> memref<96x128xf32, #tpu.memory_space<vmem>>
      %dma_wait3A_134 = arith.constant 0 : i32
      %dma_wait3A_135 = tpu.memref_slice %arg6[%add3A_11, %dma_wait3A_134] : memref<10112x128xf32, #tpu.memory_space<vmem_shared>> -> memref<96x128xf32, #tpu.memory_space<vmem_shared>>
      %dma_wait3A_136 = arith.constant 0 : i32
      %dma_wait3A_137 = tpu.memref_slice %arg6[%add3A_11, %dma_wait3A_136] : memref<10112x128xf32, #tpu.memory_space<vmem_shared>> -> memref<96x128xf32, #tpu.memory_space<vmem_shared>>
      %dma_wait3A_138 = arith.constant 0 : i32
      %dma_wait3A_139 = arith.constant 0 : i32
      %dma_wait3A_140 = tpu.memref_slice %arg9[%run_scoped3A_12, %dma_wait3A_138, %dma_wait3A_139] : memref<3x96x128xf32, #tpu.memory_space<vmem>> -> memref<1x96x128xf32, #tpu.memory_space<vmem>>
      %dma_wait3A_141 = tpu.memref_squeeze %dma_wait3A_140 : memref<1x96x128xf32, #tpu.memory_space<vmem>> -> memref<96x128xf32, #tpu.memory_space<vmem>>
      tpu.wait_dma2 semaphore(%run_scoped3A_118 : memref<!tpu.dma_semaphore, #tpu.memory_space<semaphore_mem>>) src(%dma_wait3A_141 : memref<96x128xf32, #tpu.memory_space<vmem>>) dst(%dma_wait3A_137 : memref<96x128xf32, #tpu.memory_space<vmem_shared>>)
      tpu.yield
    }) : () -> ()
    %add3A_13 = arith.constant 192 : i32
    %add3A_14 = arith.addi %mul3A_7, %add3A_13 : i32
    %run_scoped3A_15 = arith.constant 0 : i32
    "tpu.region"() ({
      %run_scoped3A_118 = tpu.sem_alloc : memref<!tpu.dma_semaphore, #tpu.memory_space<semaphore_mem>>
      %dma_start3A_119 = arith.constant 0 : i32
      %dma_start3A_120 = arith.constant 0 : i32
      %dma_start3A_121 = tpu.memref_slice %arg9[%run_scoped3A_15, %dma_start3A_119, %dma_start3A_120] : memref<3x96x128xf32, #tpu.memory_space<vmem>> -> memref<1x96x128xf32, #tpu.memory_space<vmem>>
      %dma_start3A_122 = tpu.memref_squeeze %dma_start3A_121 : memref<1x96x128xf32, #tpu.memory_space<vmem>> -> memref<96x128xf32, #tpu.memory_space<vmem>>
      %dma_start3A_123 = arith.constant 0 : i32
      %dma_start3A_124 = tpu.memref_slice %arg6[%add3A_14, %dma_start3A_123] : memref<10112x128xf32, #tpu.memory_space<vmem_shared>> -> memref<96x128xf32, #tpu.memory_space<vmem_shared>>
      %dma_start3A_125 = arith.constant 0 : i32
      %dma_start3A_126 = tpu.memref_slice %arg6[%add3A_14, %dma_start3A_125] : memref<10112x128xf32, #tpu.memory_space<vmem_shared>> -> memref<96x128xf32, #tpu.memory_space<vmem_shared>>
      %dma_start3A_127 = arith.constant 0 : i32
      %dma_start3A_128 = arith.constant 0 : i32
      %dma_start3A_129 = tpu.memref_slice %arg9[%run_scoped3A_15, %dma_start3A_127, %dma_start3A_128] : memref<3x96x128xf32, #tpu.memory_space<vmem>> -> memref<1x96x128xf32, #tpu.memory_space<vmem>>
      %dma_start3A_130 = tpu.memref_squeeze %dma_start3A_129 : memref<1x96x128xf32, #tpu.memory_space<vmem>> -> memref<96x128xf32, #tpu.memory_space<vmem>>
      tpu.enqueue_dma source(%dma_start3A_130 : memref<96x128xf32, #tpu.memory_space<vmem>>) target(%dma_start3A_126 : memref<96x128xf32, #tpu.memory_space<vmem_shared>>) target_semaphore(%run_scoped3A_118 : memref<!tpu.dma_semaphore, #tpu.memory_space<semaphore_mem>>)
      %dma_wait3A = arith.constant 0 : i32
      %dma_wait3A_131 = arith.constant 0 : i32
      %dma_wait3A_132 = tpu.memref_slice %arg9[%run_scoped3A_15, %dma_wait3A, %dma_wait3A_131] : memref<3x96x128xf32, #tpu.memory_space<vmem>> -> memref<1x96x128xf32, #tpu.memory_space<vmem>>
      %dma_wait3A_133 = tpu.memref_squeeze %dma_wait3A_132 : memref<1x96x128xf32, #tpu.memory_space<vmem>> -> memref<96x128xf32, #tpu.memory_space<vmem>>
      %dma_wait3A_134 = arith.constant 0 : i32
      %dma_wait3A_135 = tpu.memref_slice %arg6[%add3A_14, %dma_wait3A_134] : memref<10112x128xf32, #tpu.memory_space<vmem_shared>> -> memref<96x128xf32, #tpu.memory_space<vmem_shared>>
      %dma_wait3A_136 = arith.constant 0 : i32
      %dma_wait3A_137 = tpu.memref_slice %arg6[%add3A_14, %dma_wait3A_136] : memref<10112x128xf32, #tpu.memory_space<vmem_shared>> -> memref<96x128xf32, #tpu.memory_space<vmem_shared>>
      %dma_wait3A_138 = arith.constant 0 : i32
      %dma_wait3A_139 = arith.constant 0 : i32
      %dma_wait3A_140 = tpu.memref_slice %arg9[%run_scoped3A_15, %dma_wait3A_138, %dma_wait3A_139] : memref<3x96x128xf32, #tpu.memory_space<vmem>> -> memref<1x96x128xf32, #tpu.memory_space<vmem>>
      %dma_wait3A_141 = tpu.memref_squeeze %dma_wait3A_140 : memref<1x96x128xf32, #tpu.memory_space<vmem>> -> memref<96x128xf32, #tpu.memory_space<vmem>>
      tpu.wait_dma2 semaphore(%run_scoped3A_118 : memref<!tpu.dma_semaphore, #tpu.memory_space<semaphore_mem>>) src(%dma_wait3A_141 : memref<96x128xf32, #tpu.memory_space<vmem>>) dst(%dma_wait3A_137 : memref<96x128xf32, #tpu.memory_space<vmem_shared>>)
      tpu.yield
    }) : () -> ()
    %add3A_16 = arith.constant 288 : i32
    %add3A_17 = arith.addi %mul3A_7, %add3A_16 : i32
    %run_scoped3A_18 = arith.constant 0 : i32
    "tpu.region"() ({
      %run_scoped3A_118 = tpu.sem_alloc : memref<!tpu.dma_semaphore, #tpu.memory_space<semaphore_mem>>
      %dma_start3A_119 = arith.constant 0 : i32
      %dma_start3A_120 = arith.constant 0 : i32
      %dma_start3A_121 = tpu.memref_slice %arg9[%run_scoped3A_18, %dma_start3A_119, %dma_start3A_120] : memref<3x96x128xf32, #tpu.memory_space<vmem>> -> memref<1x96x128xf32, #tpu.memory_space<vmem>>
      %dma_start3A_122 = tpu.memref_squeeze %dma_start3A_121 : memref<1x96x128xf32, #tpu.memory_space<vmem>> -> memref<96x128xf32, #tpu.memory_space<vmem>>
      %dma_start3A_123 = arith.constant 0 : i32
      %dma_start3A_124 = tpu.memref_slice %arg6[%add3A_17, %dma_start3A_123] : memref<10112x128xf32, #tpu.memory_space<vmem_shared>> -> memref<96x128xf32, #tpu.memory_space<vmem_shared>>
      %dma_start3A_125 = arith.constant 0 : i32
      %dma_start3A_126 = tpu.memref_slice %arg6[%add3A_17, %dma_start3A_125] : memref<10112x128xf32, #tpu.memory_space<vmem_shared>> -> memref<96x128xf32, #tpu.memory_space<vmem_shared>>
      %dma_start3A_127 = arith.constant 0 : i32
      %dma_start3A_128 = arith.constant 0 : i32
      %dma_start3A_129 = tpu.memref_slice %arg9[%run_scoped3A_18, %dma_start3A_127, %dma_start3A_128] : memref<3x96x128xf32, #tpu.memory_space<vmem>> -> memref<1x96x128xf32, #tpu.memory_space<vmem>>
      %dma_start3A_130 = tpu.memref_squeeze %dma_start3A_129 : memref<1x96x128xf32, #tpu.memory_space<vmem>> -> memref<96x128xf32, #tpu.memory_space<vmem>>
      tpu.enqueue_dma source(%dma_start3A_130 : memref<96x128xf32, #tpu.memory_space<vmem>>) target(%dma_start3A_126 : memref<96x128xf32, #tpu.memory_space<vmem_shared>>) target_semaphore(%run_scoped3A_118 : memref<!tpu.dma_semaphore, #tpu.memory_space<semaphore_mem>>)
      %dma_wait3A = arith.constant 0 : i32
      %dma_wait3A_131 = arith.constant 0 : i32
      %dma_wait3A_132 = tpu.memref_slice %arg9[%run_scoped3A_18, %dma_wait3A, %dma_wait3A_131] : memref<3x96x128xf32, #tpu.memory_space<vmem>> -> memref<1x96x128xf32, #tpu.memory_space<vmem>>
      %dma_wait3A_133 = tpu.memref_squeeze %dma_wait3A_132 : memref<1x96x128xf32, #tpu.memory_space<vmem>> -> memref<96x128xf32, #tpu.memory_space<vmem>>
      %dma_wait3A_134 = arith.constant 0 : i32
      %dma_wait3A_135 = tpu.memref_slice %arg6[%add3A_17, %dma_wait3A_134] : memref<10112x128xf32, #tpu.memory_space<vmem_shared>> -> memref<96x128xf32, #tpu.memory_space<vmem_shared>>
      %dma_wait3A_136 = arith.constant 0 : i32
      %dma_wait3A_137 = tpu.memref_slice %arg6[%add3A_17, %dma_wait3A_136] : memref<10112x128xf32, #tpu.memory_space<vmem_shared>> -> memref<96x128xf32, #tpu.memory_space<vmem_shared>>
      %dma_wait3A_138 = arith.constant 0 : i32
      %dma_wait3A_139 = arith.constant 0 : i32
      %dma_wait3A_140 = tpu.memref_slice %arg9[%run_scoped3A_18, %dma_wait3A_138, %dma_wait3A_139] : memref<3x96x128xf32, #tpu.memory_space<vmem>> -> memref<1x96x128xf32, #tpu.memory_space<vmem>>
      %dma_wait3A_141 = tpu.memref_squeeze %dma_wait3A_140 : memref<1x96x128xf32, #tpu.memory_space<vmem>> -> memref<96x128xf32, #tpu.memory_space<vmem>>
      tpu.wait_dma2 semaphore(%run_scoped3A_118 : memref<!tpu.dma_semaphore, #tpu.memory_space<semaphore_mem>>) src(%dma_wait3A_141 : memref<96x128xf32, #tpu.memory_space<vmem>>) dst(%dma_wait3A_137 : memref<96x128xf32, #tpu.memory_space<vmem_shared>>)
      tpu.yield
    }) : () -> ()
    %add3A_19 = arith.constant 384 : i32
    %add3A_20 = arith.addi %mul3A_7, %add3A_19 : i32
    %run_scoped3A_21 = arith.constant 0 : i32
    "tpu.region"() ({
      %run_scoped3A_118 = tpu.sem_alloc : memref<!tpu.dma_semaphore, #tpu.memory_space<semaphore_mem>>
      %dma_start3A_119 = arith.constant 0 : i32
      %dma_start3A_120 = arith.constant 0 : i32
      %dma_start3A_121 = tpu.memref_slice %arg9[%run_scoped3A_21, %dma_start3A_119, %dma_start3A_120] : memref<3x96x128xf32, #tpu.memory_space<vmem>> -> memref<1x96x128xf32, #tpu.memory_space<vmem>>
      %dma_start3A_122 = tpu.memref_squeeze %dma_start3A_121 : memref<1x96x128xf32, #tpu.memory_space<vmem>> -> memref<96x128xf32, #tpu.memory_space<vmem>>
      %dma_start3A_123 = arith.constant 0 : i32
      %dma_start3A_124 = tpu.memref_slice %arg6[%add3A_20, %dma_start3A_123] : memref<10112x128xf32, #tpu.memory_space<vmem_shared>> -> memref<96x128xf32, #tpu.memory_space<vmem_shared>>
      %dma_start3A_125 = arith.constant 0 : i32
      %dma_start3A_126 = tpu.memref_slice %arg6[%add3A_20, %dma_start3A_125] : memref<10112x128xf32, #tpu.memory_space<vmem_shared>> -> memref<96x128xf32, #tpu.memory_space<vmem_shared>>
      %dma_start3A_127 = arith.constant 0 : i32
      %dma_start3A_128 = arith.constant 0 : i32
      %dma_start3A_129 = tpu.memref_slice %arg9[%run_scoped3A_21, %dma_start3A_127, %dma_start3A_128] : memref<3x96x128xf32, #tpu.memory_space<vmem>> -> memref<1x96x128xf32, #tpu.memory_space<vmem>>
      %dma_start3A_130 = tpu.memref_squeeze %dma_start3A_129 : memref<1x96x128xf32, #tpu.memory_space<vmem>> -> memref<96x128xf32, #tpu.memory_space<vmem>>
      tpu.enqueue_dma source(%dma_start3A_130 : memref<96x128xf32, #tpu.memory_space<vmem>>) target(%dma_start3A_126 : memref<96x128xf32, #tpu.memory_space<vmem_shared>>) target_semaphore(%run_scoped3A_118 : memref<!tpu.dma_semaphore, #tpu.memory_space<semaphore_mem>>)
      %dma_wait3A = arith.constant 0 : i32
      %dma_wait3A_131 = arith.constant 0 : i32
      %dma_wait3A_132 = tpu.memref_slice %arg9[%run_scoped3A_21, %dma_wait3A, %dma_wait3A_131] : memref<3x96x128xf32, #tpu.memory_space<vmem>> -> memref<1x96x128xf32, #tpu.memory_space<vmem>>
      %dma_wait3A_133 = tpu.memref_squeeze %dma_wait3A_132 : memref<1x96x128xf32, #tpu.memory_space<vmem>> -> memref<96x128xf32, #tpu.memory_space<vmem>>
      %dma_wait3A_134 = arith.constant 0 : i32
      %dma_wait3A_135 = tpu.memref_slice %arg6[%add3A_20, %dma_wait3A_134] : memref<10112x128xf32, #tpu.memory_space<vmem_shared>> -> memref<96x128xf32, #tpu.memory_space<vmem_shared>>
      %dma_wait3A_136 = arith.constant 0 : i32
      %dma_wait3A_137 = tpu.memref_slice %arg6[%add3A_20, %dma_wait3A_136] : memref<10112x128xf32, #tpu.memory_space<vmem_shared>> -> memref<96x128xf32, #tpu.memory_space<vmem_shared>>
      %dma_wait3A_138 = arith.constant 0 : i32
      %dma_wait3A_139 = arith.constant 0 : i32
      %dma_wait3A_140 = tpu.memref_slice %arg9[%run_scoped3A_21, %dma_wait3A_138, %dma_wait3A_139] : memref<3x96x128xf32, #tpu.memory_space<vmem>> -> memref<1x96x128xf32, #tpu.memory_space<vmem>>
      %dma_wait3A_141 = tpu.memref_squeeze %dma_wait3A_140 : memref<1x96x128xf32, #tpu.memory_space<vmem>> -> memref<96x128xf32, #tpu.memory_space<vmem>>
      tpu.wait_dma2 semaphore(%run_scoped3A_118 : memref<!tpu.dma_semaphore, #tpu.memory_space<semaphore_mem>>) src(%dma_wait3A_141 : memref<96x128xf32, #tpu.memory_space<vmem>>) dst(%dma_wait3A_137 : memref<96x128xf32, #tpu.memory_space<vmem_shared>>)
      tpu.yield
    }) : () -> ()
    %add3A_22 = arith.constant 480 : i32
    %add3A_23 = arith.addi %mul3A_7, %add3A_22 : i32
    %run_scoped3A_24 = arith.constant 0 : i32
    "tpu.region"() ({
      %run_scoped3A_118 = tpu.sem_alloc : memref<!tpu.dma_semaphore, #tpu.memory_space<semaphore_mem>>
      %dma_start3A_119 = arith.constant 0 : i32
      %dma_start3A_120 = arith.constant 0 : i32
      %dma_start3A_121 = tpu.memref_slice %arg9[%run_scoped3A_24, %dma_start3A_119, %dma_start3A_120] : memref<3x96x128xf32, #tpu.memory_space<vmem>> -> memref<1x96x128xf32, #tpu.memory_space<vmem>>
      %dma_start3A_122 = tpu.memref_squeeze %dma_start3A_121 : memref<1x96x128xf32, #tpu.memory_space<vmem>> -> memref<96x128xf32, #tpu.memory_space<vmem>>
      %dma_start3A_123 = arith.constant 0 : i32
      %dma_start3A_124 = tpu.memref_slice %arg6[%add3A_23, %dma_start3A_123] : memref<10112x128xf32, #tpu.memory_space<vmem_shared>> -> memref<96x128xf32, #tpu.memory_space<vmem_shared>>
      %dma_start3A_125 = arith.constant 0 : i32
      %dma_start3A_126 = tpu.memref_slice %arg6[%add3A_23, %dma_start3A_125] : memref<10112x128xf32, #tpu.memory_space<vmem_shared>> -> memref<96x128xf32, #tpu.memory_space<vmem_shared>>
      %dma_start3A_127 = arith.constant 0 : i32
      %dma_start3A_128 = arith.constant 0 : i32
      %dma_start3A_129 = tpu.memref_slice %arg9[%run_scoped3A_24, %dma_start3A_127, %dma_start3A_128] : memref<3x96x128xf32, #tpu.memory_space<vmem>> -> memref<1x96x128xf32, #tpu.memory_space<vmem>>
      %dma_start3A_130 = tpu.memref_squeeze %dma_start3A_129 : memref<1x96x128xf32, #tpu.memory_space<vmem>> -> memref<96x128xf32, #tpu.memory_space<vmem>>
      tpu.enqueue_dma source(%dma_start3A_130 : memref<96x128xf32, #tpu.memory_space<vmem>>) target(%dma_start3A_126 : memref<96x128xf32, #tpu.memory_space<vmem_shared>>) target_semaphore(%run_scoped3A_118 : memref<!tpu.dma_semaphore, #tpu.memory_space<semaphore_mem>>)
      %dma_wait3A = arith.constant 0 : i32
      %dma_wait3A_131 = arith.constant 0 : i32
      %dma_wait3A_132 = tpu.memref_slice %arg9[%run_scoped3A_24, %dma_wait3A, %dma_wait3A_131] : memref<3x96x128xf32, #tpu.memory_space<vmem>> -> memref<1x96x128xf32, #tpu.memory_space<vmem>>
      %dma_wait3A_133 = tpu.memref_squeeze %dma_wait3A_132 : memref<1x96x128xf32, #tpu.memory_space<vmem>> -> memref<96x128xf32, #tpu.memory_space<vmem>>
      %dma_wait3A_134 = arith.constant 0 : i32
      %dma_wait3A_135 = tpu.memref_slice %arg6[%add3A_23, %dma_wait3A_134] : memref<10112x128xf32, #tpu.memory_space<vmem_shared>> -> memref<96x128xf32, #tpu.memory_space<vmem_shared>>
      %dma_wait3A_136 = arith.constant 0 : i32
      %dma_wait3A_137 = tpu.memref_slice %arg6[%add3A_23, %dma_wait3A_136] : memref<10112x128xf32, #tpu.memory_space<vmem_shared>> -> memref<96x128xf32, #tpu.memory_space<vmem_shared>>
      %dma_wait3A_138 = arith.constant 0 : i32
      %dma_wait3A_139 = arith.constant 0 : i32
      %dma_wait3A_140 = tpu.memref_slice %arg9[%run_scoped3A_24, %dma_wait3A_138, %dma_wait3A_139] : memref<3x96x128xf32, #tpu.memory_space<vmem>> -> memref<1x96x128xf32, #tpu.memory_space<vmem>>
      %dma_wait3A_141 = tpu.memref_squeeze %dma_wait3A_140 : memref<1x96x128xf32, #tpu.memory_space<vmem>> -> memref<96x128xf32, #tpu.memory_space<vmem>>
      tpu.wait_dma2 semaphore(%run_scoped3A_118 : memref<!tpu.dma_semaphore, #tpu.memory_space<semaphore_mem>>) src(%dma_wait3A_141 : memref<96x128xf32, #tpu.memory_space<vmem>>) dst(%dma_wait3A_137 : memref<96x128xf32, #tpu.memory_space<vmem_shared>>)
      tpu.yield
    }) : () -> ()
    %add3A_25 = arith.constant 576 : i32
    %add3A_26 = arith.addi %mul3A_7, %add3A_25 : i32
    %run_scoped3A_27 = arith.constant 0 : i32
    "tpu.region"() ({
      %run_scoped3A_118 = tpu.sem_alloc : memref<!tpu.dma_semaphore, #tpu.memory_space<semaphore_mem>>
      %dma_start3A_119 = arith.constant 0 : i32
      %dma_start3A_120 = arith.constant 0 : i32
      %dma_start3A_121 = tpu.memref_slice %arg9[%run_scoped3A_27, %dma_start3A_119, %dma_start3A_120] : memref<3x96x128xf32, #tpu.memory_space<vmem>> -> memref<1x56x128xf32, #tpu.memory_space<vmem>>
      %dma_start3A_122 = tpu.memref_squeeze %dma_start3A_121 : memref<1x56x128xf32, #tpu.memory_space<vmem>> -> memref<56x128xf32, #tpu.memory_space<vmem>>
      %dma_start3A_123 = arith.constant 0 : i32
      %dma_start3A_124 = tpu.memref_slice %arg6[%add3A_26, %dma_start3A_123] : memref<10112x128xf32, #tpu.memory_space<vmem_shared>> -> memref<56x128xf32, #tpu.memory_space<vmem_shared>>
      %dma_start3A_125 = arith.constant 0 : i32
      %dma_start3A_126 = tpu.memref_slice %arg6[%add3A_26, %dma_start3A_125] : memref<10112x128xf32, #tpu.memory_space<vmem_shared>> -> memref<56x128xf32, #tpu.memory_space<vmem_shared>>
      %dma_start3A_127 = arith.constant 0 : i32
      %dma_start3A_128 = arith.constant 0 : i32
      %dma_start3A_129 = tpu.memref_slice %arg9[%run_scoped3A_27, %dma_start3A_127, %dma_start3A_128] : memref<3x96x128xf32, #tpu.memory_space<vmem>> -> memref<1x56x128xf32, #tpu.memory_space<vmem>>
      %dma_start3A_130 = tpu.memref_squeeze %dma_start3A_129 : memref<1x56x128xf32, #tpu.memory_space<vmem>> -> memref<56x128xf32, #tpu.memory_space<vmem>>
      tpu.enqueue_dma source(%dma_start3A_130 : memref<56x128xf32, #tpu.memory_space<vmem>>) target(%dma_start3A_126 : memref<56x128xf32, #tpu.memory_space<vmem_shared>>) target_semaphore(%run_scoped3A_118 : memref<!tpu.dma_semaphore, #tpu.memory_space<semaphore_mem>>)
      %dma_wait3A = arith.constant 0 : i32
      %dma_wait3A_131 = arith.constant 0 : i32
      %dma_wait3A_132 = tpu.memref_slice %arg9[%run_scoped3A_27, %dma_wait3A, %dma_wait3A_131] : memref<3x96x128xf32, #tpu.memory_space<vmem>> -> memref<1x56x128xf32, #tpu.memory_space<vmem>>
      %dma_wait3A_133 = tpu.memref_squeeze %dma_wait3A_132 : memref<1x56x128xf32, #tpu.memory_space<vmem>> -> memref<56x128xf32, #tpu.memory_space<vmem>>
      %dma_wait3A_134 = arith.constant 0 : i32
      %dma_wait3A_135 = tpu.memref_slice %arg6[%add3A_26, %dma_wait3A_134] : memref<10112x128xf32, #tpu.memory_space<vmem_shared>> -> memref<56x128xf32, #tpu.memory_space<vmem_shared>>
      %dma_wait3A_136 = arith.constant 0 : i32
      %dma_wait3A_137 = tpu.memref_slice %arg6[%add3A_26, %dma_wait3A_136] : memref<10112x128xf32, #tpu.memory_space<vmem_shared>> -> memref<56x128xf32, #tpu.memory_space<vmem_shared>>
      %dma_wait3A_138 = arith.constant 0 : i32
      %dma_wait3A_139 = arith.constant 0 : i32
      %dma_wait3A_140 = tpu.memref_slice %arg9[%run_scoped3A_27, %dma_wait3A_138, %dma_wait3A_139] : memref<3x96x128xf32, #tpu.memory_space<vmem>> -> memref<1x56x128xf32, #tpu.memory_space<vmem>>
      %dma_wait3A_141 = tpu.memref_squeeze %dma_wait3A_140 : memref<1x56x128xf32, #tpu.memory_space<vmem>> -> memref<56x128xf32, #tpu.memory_space<vmem>>
      tpu.wait_dma2 semaphore(%run_scoped3A_118 : memref<!tpu.dma_semaphore, #tpu.memory_space<semaphore_mem>>) src(%dma_wait3A_141 : memref<56x128xf32, #tpu.memory_space<vmem>>) dst(%dma_wait3A_137 : memref<56x128xf32, #tpu.memory_space<vmem_shared>>)
      tpu.yield
    }) : () -> ()
    %mul3A_28 = arith.constant 2 : i32
    %mul3A_29 = arith.muli %mul3A_28, %add3A : i32
    %add3A_30 = arith.constant 0 : i32
    %add3A_31 = arith.addi %mul3A_29, %add3A_30 : i32
    %mul3A_32 = arith.constant 5184 : i32
    %mul3A_33 = arith.muli %add3A_31, %mul3A_32 : i32
    "tpu.region"() ({
      %run_scoped3A_118 = tpu.sem_alloc : memref<!tpu.dma_semaphore, #tpu.memory_space<semaphore_mem>>
      %dma_start3A_119 = tpu.memref_slice %arg3[%mul3A_33] : memref<331776xi32, #tpu.memory_space<hbm>> -> memref<5184xi32, #tpu.memory_space<hbm>>
      %dma_start3A_120 = tpu.memref_slice %arg3[%mul3A_33] : memref<331776xi32, #tpu.memory_space<hbm>> -> memref<5184xi32, #tpu.memory_space<hbm>>
      tpu.enqueue_dma source(%dma_start3A_120 : memref<5184xi32, #tpu.memory_space<hbm>>) target(%arg7 : memref<5184xi32, #tpu.memory_space<vmem>>) target_semaphore(%run_scoped3A_118 : memref<!tpu.dma_semaphore, #tpu.memory_space<semaphore_mem>>)
      %dma_wait3A = tpu.memref_slice %arg3[%mul3A_33] : memref<331776xi32, #tpu.memory_space<hbm>> -> memref<5184xi32, #tpu.memory_space<hbm>>
      %dma_wait3A_121 = tpu.memref_slice %arg3[%mul3A_33] : memref<331776xi32, #tpu.memory_space<hbm>> -> memref<5184xi32, #tpu.memory_space<hbm>>
      tpu.wait_dma2 semaphore(%run_scoped3A_118 : memref<!tpu.dma_semaphore, #tpu.memory_space<semaphore_mem>>) src(%dma_wait3A_121 : memref<5184xi32, #tpu.memory_space<hbm>>) dst(%arg7 : memref<5184xi32, #tpu.memory_space<vmem>>)
      tpu.yield
    }) : () -> ()
    %run_scoped3A_34 = arith.constant 0 : i32
    "tpu.region"() ({
      %run_scoped3A_118 = tpu.sem_alloc : memref<!tpu.dma_semaphore, #tpu.memory_space<semaphore_mem>>
      %dma_start3A_119 = arith.constant 0 : i32
      %dma_start3A_120 = arith.constant 0 : i32
      %dma_start3A_121 = tpu.memref_slice %arg4[%add3A, %run_scoped3A_34, %dma_start3A_119, %dma_start3A_120] : memref<32x2x54x96xi32, #tpu.memory_space<hbm>> -> memref<1x1x54x96xi32, #tpu.memory_space<hbm>>
      %dma_start3A_122 = tpu.memref_squeeze %dma_start3A_121 : memref<1x1x54x96xi32, #tpu.memory_space<hbm>> -> memref<54x96xi32, #tpu.memory_space<hbm>>
      %dma_start3A_123 = arith.constant 0 : i32
      %dma_start3A_124 = arith.constant 0 : i32
      %dma_start3A_125 = tpu.memref_slice %arg4[%add3A, %run_scoped3A_34, %dma_start3A_123, %dma_start3A_124] : memref<32x2x54x96xi32, #tpu.memory_space<hbm>> -> memref<1x1x54x96xi32, #tpu.memory_space<hbm>>
      %dma_start3A_126 = tpu.memref_squeeze %dma_start3A_125 : memref<1x1x54x96xi32, #tpu.memory_space<hbm>> -> memref<54x96xi32, #tpu.memory_space<hbm>>
      tpu.enqueue_dma source(%dma_start3A_126 : memref<54x96xi32, #tpu.memory_space<hbm>>) target(%arg8 : memref<54x96xi32, #tpu.memory_space<vmem>>) target_semaphore(%run_scoped3A_118 : memref<!tpu.dma_semaphore, #tpu.memory_space<semaphore_mem>>)
      %dma_wait3A = arith.constant 0 : i32
      %dma_wait3A_127 = arith.constant 0 : i32
      %dma_wait3A_128 = tpu.memref_slice %arg4[%add3A, %run_scoped3A_34, %dma_wait3A, %dma_wait3A_127] : memref<32x2x54x96xi32, #tpu.memory_space<hbm>> -> memref<1x1x54x96xi32, #tpu.memory_space<hbm>>
      %dma_wait3A_129 = tpu.memref_squeeze %dma_wait3A_128 : memref<1x1x54x96xi32, #tpu.memory_space<hbm>> -> memref<54x96xi32, #tpu.memory_space<hbm>>
      %dma_wait3A_130 = arith.constant 0 : i32
      %dma_wait3A_131 = arith.constant 0 : i32
      %dma_wait3A_132 = tpu.memref_slice %arg4[%add3A, %run_scoped3A_34, %dma_wait3A_130, %dma_wait3A_131] : memref<32x2x54x96xi32, #tpu.memory_space<hbm>> -> memref<1x1x54x96xi32, #tpu.memory_space<hbm>>
      %dma_wait3A_133 = tpu.memref_squeeze %dma_wait3A_132 : memref<1x1x54x96xi32, #tpu.memory_space<hbm>> -> memref<54x96xi32, #tpu.memory_space<hbm>>
      tpu.wait_dma2 semaphore(%run_scoped3A_118 : memref<!tpu.dma_semaphore, #tpu.memory_space<semaphore_mem>>) src(%dma_wait3A_133 : memref<54x96xi32, #tpu.memory_space<hbm>>) dst(%arg8 : memref<54x96xi32, #tpu.memory_space<vmem>>)
      tpu.yield
    }) : () -> ()
    %dma_start3A = arith.constant 0 : i32
    %dma_start3A_35 = arith.constant 0 : i32
    %dma_start3A_36 = arith.constant 0 : i32
    %dma_start3A_37 = tpu.memref_slice %arg9[%dma_start3A, %dma_start3A_35, %dma_start3A_36] : memref<3x96x128xf32, #tpu.memory_space<vmem>> -> memref<1x96x128xf32, #tpu.memory_space<vmem>>
    %dma_start3A_38 = tpu.memref_squeeze %dma_start3A_37 : memref<1x96x128xf32, #tpu.memory_space<vmem>> -> memref<96x128xf32, #tpu.memory_space<vmem>>
    %dma_start3A_39 = arith.constant 0 : i32
    %dma_start3A_40 = tpu.memref_slice %arg7[%dma_start3A_39] : memref<5184xi32, #tpu.memory_space<vmem>> -> memref<96xi32, #tpu.memory_space<vmem>>
    %dma_start3A_41 = arith.constant 0 : i32
    %dma_start3A_42 = arith.constant 0 : i32
    %dma_start3A_43 = tpu.memref_slice %arg2[%dma_start3A_41, %dma_start3A_42] : memref<10000x128xf32, #tpu.memory_space<hbm>> -> memref<10000x128xf32, #tpu.memory_space<hbm>>
    tpu.enqueue_indirect_dma source(%dma_start3A_43 : memref<10000x128xf32, #tpu.memory_space<hbm>>) target(%dma_start3A_38 : memref<96x128xf32, #tpu.memory_space<vmem>>) offsets(%dma_start3A_40 : memref<96xi32, #tpu.memory_space<vmem>>) semaphore(%arg10 : memref<!tpu.dma_semaphore, #tpu.memory_space<semaphore_mem>>)
    %dma_start3A_44 = arith.constant 1 : i32
    %dma_start3A_45 = arith.constant 0 : i32
    %dma_start3A_46 = arith.constant 0 : i32
    %dma_start3A_47 = tpu.memref_slice %arg9[%dma_start3A_44, %dma_start3A_45, %dma_start3A_46] : memref<3x96x128xf32, #tpu.memory_space<vmem>> -> memref<1x96x128xf32, #tpu.memory_space<vmem>>
    %dma_start3A_48 = tpu.memref_squeeze %dma_start3A_47 : memref<1x96x128xf32, #tpu.memory_space<vmem>> -> memref<96x128xf32, #tpu.memory_space<vmem>>
    %dma_start3A_49 = arith.constant 96 : i32
    %dma_start3A_50 = tpu.memref_slice %arg7[%dma_start3A_49] : memref<5184xi32, #tpu.memory_space<vmem>> -> memref<96xi32, #tpu.memory_space<vmem>>
    %dma_start3A_51 = arith.constant 0 : i32
    %dma_start3A_52 = arith.constant 0 : i32
    %dma_start3A_53 = tpu.memref_slice %arg2[%dma_start3A_51, %dma_start3A_52] : memref<10000x128xf32, #tpu.memory_space<hbm>> -> memref<10000x128xf32, #tpu.memory_space<hbm>>
    tpu.enqueue_indirect_dma source(%dma_start3A_53 : memref<10000x128xf32, #tpu.memory_space<hbm>>) target(%dma_start3A_48 : memref<96x128xf32, #tpu.memory_space<vmem>>) offsets(%dma_start3A_50 : memref<96xi32, #tpu.memory_space<vmem>>) semaphore(%arg11 : memref<!tpu.dma_semaphore, #tpu.memory_space<semaphore_mem>>)
    %dma_start3A_54 = arith.constant 2 : i32
    %dma_start3A_55 = arith.constant 0 : i32
    %dma_start3A_56 = arith.constant 0 : i32
    %dma_start3A_57 = tpu.memref_slice %arg9[%dma_start3A_54, %dma_start3A_55, %dma_start3A_56] : memref<3x96x128xf32, #tpu.memory_space<vmem>> -> memref<1x96x128xf32, #tpu.memory_space<vmem>>
    %dma_start3A_58 = tpu.memref_squeeze %dma_start3A_57 : memref<1x96x128xf32, #tpu.memory_space<vmem>> -> memref<96x128xf32, #tpu.memory_space<vmem>>
    %dma_start3A_59 = arith.constant 192 : i32
    %dma_start3A_60 = tpu.memref_slice %arg7[%dma_start3A_59] : memref<5184xi32, #tpu.memory_space<vmem>> -> memref<96xi32, #tpu.memory_space<vmem>>
    %dma_start3A_61 = arith.constant 0 : i32
    %dma_start3A_62 = arith.constant 0 : i32
    %dma_start3A_63 = tpu.memref_slice %arg2[%dma_start3A_61, %dma_start3A_62] : memref<10000x128xf32, #tpu.memory_space<hbm>> -> memref<10000x128xf32, #tpu.memory_space<hbm>>
    tpu.enqueue_indirect_dma source(%dma_start3A_63 : memref<10000x128xf32, #tpu.memory_space<hbm>>) target(%dma_start3A_58 : memref<96x128xf32, #tpu.memory_space<vmem>>) offsets(%dma_start3A_60 : memref<96xi32, #tpu.memory_space<vmem>>) semaphore(%arg12 : memref<!tpu.dma_semaphore, #tpu.memory_space<semaphore_mem>>)
    %barrier3A = arith.constant 0 : index
    tpu.barrier barrier_id(%barrier3A)
    %scan3A_64 = arith.constant 0 : i32
    %scan3A_65 = arith.constant 0 : i32
    %scan3A_66 = arith.constant 18 : i32
    %scan3A_67 = arith.addi %scan3A_65, %scan3A_66 : i32
    %scan3A_68 = arith.constant 1 : i32
    scf.for %scan3A_118 = %scan3A_65 to %scan3A_67 step %scan3A_68  : i32 {
      %mul3A_119 = arith.constant 3 : i32
      %mul3A_120 = arith.muli %mul3A_119, %scan3A_118 : i32
      %mul3A_121 = arith.constant 96 : i32
      %mul3A_122 = arith.muli %mul3A_120, %mul3A_121 : i32
      %dma_wait3A = arith.constant 0 : i32
      %dma_wait3A_123 = arith.constant 0 : i32
      %dma_wait3A_124 = arith.constant 0 : i32
      %dma_wait3A_125 = tpu.memref_slice %arg9[%dma_wait3A, %dma_wait3A_123, %dma_wait3A_124] : memref<3x96x128xf32, #tpu.memory_space<vmem>> -> memref<1x96x128xf32, #tpu.memory_space<vmem>>
      %dma_wait3A_126 = tpu.memref_squeeze %dma_wait3A_125 : memref<1x96x128xf32, #tpu.memory_space<vmem>> -> memref<96x128xf32, #tpu.memory_space<vmem>>
      %dma_wait3A_127 = tpu.memref_slice %arg7[%mul3A_122] : memref<5184xi32, #tpu.memory_space<vmem>> -> memref<96xi32, #tpu.memory_space<vmem>>
      %dma_wait3A_128 = arith.constant 0 : i32
      %dma_wait3A_129 = arith.constant 0 : i32
      %dma_wait3A_130 = tpu.memref_slice %arg2[%dma_wait3A_128, %dma_wait3A_129] : memref<10000x128xf32, #tpu.memory_space<hbm>> -> memref<10000x128xf32, #tpu.memory_space<hbm>>
      tpu.wait_indirect_dma semaphore(%arg10 : memref<!tpu.dma_semaphore, #tpu.memory_space<semaphore_mem>>) src(%dma_wait3A_130 : memref<10000x128xf32, #tpu.memory_space<hbm>>) dst(%dma_wait3A_126 : memref<96x128xf32, #tpu.memory_space<vmem>>)
      %run_scoped3A_131 = arith.constant 0 : i32
      "tpu.region"() ({
        %run_scoped3A_182 = tpu.sem_alloc : memref<!tpu.dma_semaphore, #tpu.memory_space<semaphore_mem>>
        %dma_start3A_183 = arith.constant 0 : i32
        %dma_start3A_184 = arith.constant 0 : i32
        %dma_start3A_185 = tpu.memref_slice %arg9[%run_scoped3A_131, %dma_start3A_183, %dma_start3A_184] : memref<3x96x128xf32, #tpu.memory_space<vmem>> -> memref<1x96x128xf32, #tpu.memory_space<vmem>>
        %dma_start3A_186 = tpu.memref_squeeze %dma_start3A_185 : memref<1x96x128xf32, #tpu.memory_space<vmem>> -> memref<96x128xf32, #tpu.memory_space<vmem>>
        %dma_start3A_187 = arith.constant 0 : i32
        %dma_start3A_188 = tpu.memref_slice %arg8[%mul3A_120, %dma_start3A_187] : memref<54x96xi32, #tpu.memory_space<vmem>> -> memref<1x96xi32, #tpu.memory_space<vmem>>
        %dma_start3A_189 = tpu.memref_squeeze %dma_start3A_188 : memref<1x96xi32, #tpu.memory_space<vmem>> -> memref<96xi32, #tpu.memory_space<vmem>>
        %dma_start3A_190 = arith.constant 0 : i32
        %dma_start3A_191 = arith.constant 0 : i32
        %dma_start3A_192 = tpu.memref_slice %arg6[%dma_start3A_190, %dma_start3A_191] : memref<10112x128xf32, #tpu.memory_space<vmem_shared>> -> memref<10112x128xf32, #tpu.memory_space<vmem_shared>>
        tpu.enqueue_indirect_dma source(%dma_start3A_186 : memref<96x128xf32, #tpu.memory_space<vmem>>) target(%dma_start3A_192 : memref<10112x128xf32, #tpu.memory_space<vmem_shared>>) offsets(%dma_start3A_189 : memref<96xi32, #tpu.memory_space<vmem>>) semaphore(%run_scoped3A_182 : memref<!tpu.dma_semaphore, #tpu.memory_space<semaphore_mem>>) {add = true}
        %dma_wait3A_193 = arith.constant 0 : i32
        %dma_wait3A_194 = arith.constant 0 : i32
        %dma_wait3A_195 = tpu.memref_slice %arg9[%run_scoped3A_131, %dma_wait3A_193, %dma_wait3A_194] : memref<3x96x128xf32, #tpu.memory_space<vmem>> -> memref<1x96x128xf32, #tpu.memory_space<vmem>>
        %dma_wait3A_196 = tpu.memref_squeeze %dma_wait3A_195 : memref<1x96x128xf32, #tpu.memory_space<vmem>> -> memref<96x128xf32, #tpu.memory_space<vmem>>
        %dma_wait3A_197 = arith.constant 0 : i32
        %dma_wait3A_198 = tpu.memref_slice %arg8[%mul3A_120, %dma_wait3A_197] : memref<54x96xi32, #tpu.memory_space<vmem>> -> memref<1x96xi32, #tpu.memory_space<vmem>>
        %dma_wait3A_199 = tpu.memref_squeeze %dma_wait3A_198 : memref<1x96xi32, #tpu.memory_space<vmem>> -> memref<96xi32, #tpu.memory_space<vmem>>
        %dma_wait3A_200 = arith.constant 0 : i32
        %dma_wait3A_201 = arith.constant 0 : i32
        %dma_wait3A_202 = tpu.memref_slice %arg6[%dma_wait3A_200, %dma_wait3A_201] : memref<10112x128xf32, #tpu.memory_space<vmem_shared>> -> memref<10112x128xf32, #tpu.memory_space<vmem_shared>>
        tpu.wait_indirect_dma semaphore(%run_scoped3A_182 : memref<!tpu.dma_semaphore, #tpu.memory_space<semaphore_mem>>) src(%dma_wait3A_196 : memref<96x128xf32, #tpu.memory_space<vmem>>) dst(%dma_wait3A_202 : memref<10112x128xf32, #tpu.memory_space<vmem_shared>>)
        tpu.yield
      }) : () -> ()
      %add3A_132 = arith.constant 3 : i32
      %add3A_133 = arith.addi %mul3A_120, %add3A_132 : i32
      %lt3A = arith.constant 54 : i32
      %lt3A_134 = arith.cmpi slt, %add3A_133, %lt3A : i32
      %convert_element_type3A = arith.extui %lt3A_134 : i1 to i32
      %cond3A = arith.constant 0 : i32
      %cond3A_135 = arith.cmpi ne, %convert_element_type3A, %cond3A : i32
      scf.if %cond3A_135 {
        %add3A_182 = arith.constant 3 : i32
        %add3A_183 = arith.addi %mul3A_120, %add3A_182 : i32
        %mul3A_184 = arith.constant 96 : i32
        %mul3A_185 = arith.muli %add3A_183, %mul3A_184 : i32
        %dma_start3A_186 = arith.constant 0 : i32
        %dma_start3A_187 = arith.constant 0 : i32
        %dma_start3A_188 = arith.constant 0 : i32
        %dma_start3A_189 = tpu.memref_slice %arg9[%dma_start3A_186, %dma_start3A_187, %dma_start3A_188] : memref<3x96x128xf32, #tpu.memory_space<vmem>> -> memref<1x96x128xf32, #tpu.memory_space<vmem>>
        %dma_start3A_190 = tpu.memref_squeeze %dma_start3A_189 : memref<1x96x128xf32, #tpu.memory_space<vmem>> -> memref<96x128xf32, #tpu.memory_space<vmem>>
        %dma_start3A_191 = tpu.memref_slice %arg7[%mul3A_185] : memref<5184xi32, #tpu.memory_space<vmem>> -> memref<96xi32, #tpu.memory_space<vmem>>
        %dma_start3A_192 = arith.constant 0 : i32
        %dma_start3A_193 = arith.constant 0 : i32
        %dma_start3A_194 = tpu.memref_slice %arg2[%dma_start3A_192, %dma_start3A_193] : memref<10000x128xf32, #tpu.memory_space<hbm>> -> memref<10000x128xf32, #tpu.memory_space<hbm>>
        tpu.enqueue_indirect_dma source(%dma_start3A_194 : memref<10000x128xf32, #tpu.memory_space<hbm>>) target(%dma_start3A_190 : memref<96x128xf32, #tpu.memory_space<vmem>>) offsets(%dma_start3A_191 : memref<96xi32, #tpu.memory_space<vmem>>) semaphore(%arg10 : memref<!tpu.dma_semaphore, #tpu.memory_space<semaphore_mem>>)
      } else {
      }
      %add3A_136 = arith.constant 1 : i32
      %add3A_137 = arith.addi %mul3A_120, %add3A_136 : i32
      %mul3A_138 = arith.constant 96 : i32
      %mul3A_139 = arith.muli %add3A_137, %mul3A_138 : i32
      %dma_wait3A_140 = arith.constant 1 : i32
      %dma_wait3A_141 = arith.constant 0 : i32
      %dma_wait3A_142 = arith.constant 0 : i32
      %dma_wait3A_143 = tpu.memref_slice %arg9[%dma_wait3A_140, %dma_wait3A_141, %dma_wait3A_142] : memref<3x96x128xf32, #tpu.memory_space<vmem>> -> memref<1x96x128xf32, #tpu.memory_space<vmem>>
      %dma_wait3A_144 = tpu.memref_squeeze %dma_wait3A_143 : memref<1x96x128xf32, #tpu.memory_space<vmem>> -> memref<96x128xf32, #tpu.memory_space<vmem>>
      %dma_wait3A_145 = tpu.memref_slice %arg7[%mul3A_139] : memref<5184xi32, #tpu.memory_space<vmem>> -> memref<96xi32, #tpu.memory_space<vmem>>
      %dma_wait3A_146 = arith.constant 0 : i32
      %dma_wait3A_147 = arith.constant 0 : i32
      %dma_wait3A_148 = tpu.memref_slice %arg2[%dma_wait3A_146, %dma_wait3A_147] : memref<10000x128xf32, #tpu.memory_space<hbm>> -> memref<10000x128xf32, #tpu.memory_space<hbm>>
      tpu.wait_indirect_dma semaphore(%arg11 : memref<!tpu.dma_semaphore, #tpu.memory_space<semaphore_mem>>) src(%dma_wait3A_148 : memref<10000x128xf32, #tpu.memory_space<hbm>>) dst(%dma_wait3A_144 : memref<96x128xf32, #tpu.memory_space<vmem>>)
      %add3A_149 = arith.constant 1 : i32
      %add3A_150 = arith.addi %mul3A_120, %add3A_149 : i32
      %run_scoped3A_151 = arith.constant 1 : i32
      "tpu.region"() ({
        %run_scoped3A_182 = tpu.sem_alloc : memref<!tpu.dma_semaphore, #tpu.memory_space<semaphore_mem>>
        %dma_start3A_183 = arith.constant 0 : i32
        %dma_start3A_184 = arith.constant 0 : i32
        %dma_start3A_185 = tpu.memref_slice %arg9[%run_scoped3A_151, %dma_start3A_183, %dma_start3A_184] : memref<3x96x128xf32, #tpu.memory_space<vmem>> -> memref<1x96x128xf32, #tpu.memory_space<vmem>>
        %dma_start3A_186 = tpu.memref_squeeze %dma_start3A_185 : memref<1x96x128xf32, #tpu.memory_space<vmem>> -> memref<96x128xf32, #tpu.memory_space<vmem>>
        %dma_start3A_187 = arith.constant 0 : i32
        %dma_start3A_188 = tpu.memref_slice %arg8[%add3A_150, %dma_start3A_187] : memref<54x96xi32, #tpu.memory_space<vmem>> -> memref<1x96xi32, #tpu.memory_space<vmem>>
        %dma_start3A_189 = tpu.memref_squeeze %dma_start3A_188 : memref<1x96xi32, #tpu.memory_space<vmem>> -> memref<96xi32, #tpu.memory_space<vmem>>
        %dma_start3A_190 = arith.constant 0 : i32
        %dma_start3A_191 = arith.constant 0 : i32
        %dma_start3A_192 = tpu.memref_slice %arg6[%dma_start3A_190, %dma_start3A_191] : memref<10112x128xf32, #tpu.memory_space<vmem_shared>> -> memref<10112x128xf32, #tpu.memory_space<vmem_shared>>
        tpu.enqueue_indirect_dma source(%dma_start3A_186 : memref<96x128xf32, #tpu.memory_space<vmem>>) target(%dma_start3A_192 : memref<10112x128xf32, #tpu.memory_space<vmem_shared>>) offsets(%dma_start3A_189 : memref<96xi32, #tpu.memory_space<vmem>>) semaphore(%run_scoped3A_182 : memref<!tpu.dma_semaphore, #tpu.memory_space<semaphore_mem>>) {add = true}
        %dma_wait3A_193 = arith.constant 0 : i32
        %dma_wait3A_194 = arith.constant 0 : i32
        %dma_wait3A_195 = tpu.memref_slice %arg9[%run_scoped3A_151, %dma_wait3A_193, %dma_wait3A_194] : memref<3x96x128xf32, #tpu.memory_space<vmem>> -> memref<1x96x128xf32, #tpu.memory_space<vmem>>
        %dma_wait3A_196 = tpu.memref_squeeze %dma_wait3A_195 : memref<1x96x128xf32, #tpu.memory_space<vmem>> -> memref<96x128xf32, #tpu.memory_space<vmem>>
        %dma_wait3A_197 = arith.constant 0 : i32
        %dma_wait3A_198 = tpu.memref_slice %arg8[%add3A_150, %dma_wait3A_197] : memref<54x96xi32, #tpu.memory_space<vmem>> -> memref<1x96xi32, #tpu.memory_space<vmem>>
        %dma_wait3A_199 = tpu.memref_squeeze %dma_wait3A_198 : memref<1x96xi32, #tpu.memory_space<vmem>> -> memref<96xi32, #tpu.memory_space<vmem>>
        %dma_wait3A_200 = arith.constant 0 : i32
        %dma_wait3A_201 = arith.constant 0 : i32
        %dma_wait3A_202 = tpu.memref_slice %arg6[%dma_wait3A_200, %dma_wait3A_201] : memref<10112x128xf32, #tpu.memory_space<vmem_shared>> -> memref<10112x128xf32, #tpu.memory_space<vmem_shared>>
        tpu.wait_indirect_dma semaphore(%run_scoped3A_182 : memref<!tpu.dma_semaphore, #tpu.memory_space<semaphore_mem>>) src(%dma_wait3A_196 : memref<96x128xf32, #tpu.memory_space<vmem>>) dst(%dma_wait3A_202 : memref<10112x128xf32, #tpu.memory_space<vmem_shared>>)
        tpu.yield
      }) : () -> ()
      %add3A_152 = arith.constant 4 : i32
      %add3A_153 = arith.addi %mul3A_120, %add3A_152 : i32
      %lt3A_154 = arith.constant 54 : i32
      %lt3A_155 = arith.cmpi slt, %add3A_153, %lt3A_154 : i32
      %convert_element_type3A_156 = arith.extui %lt3A_155 : i1 to i32
      %cond3A_157 = arith.constant 0 : i32
      %cond3A_158 = arith.cmpi ne, %convert_element_type3A_156, %cond3A_157 : i32
      scf.if %cond3A_158 {
        %add3A_182 = arith.constant 4 : i32
        %add3A_183 = arith.addi %mul3A_120, %add3A_182 : i32
        %mul3A_184 = arith.constant 96 : i32
        %mul3A_185 = arith.muli %add3A_183, %mul3A_184 : i32
        %dma_start3A_186 = arith.constant 1 : i32
        %dma_start3A_187 = arith.constant 0 : i32
        %dma_start3A_188 = arith.constant 0 : i32
        %dma_start3A_189 = tpu.memref_slice %arg9[%dma_start3A_186, %dma_start3A_187, %dma_start3A_188] : memref<3x96x128xf32, #tpu.memory_space<vmem>> -> memref<1x96x128xf32, #tpu.memory_space<vmem>>
        %dma_start3A_190 = tpu.memref_squeeze %dma_start3A_189 : memref<1x96x128xf32, #tpu.memory_space<vmem>> -> memref<96x128xf32, #tpu.memory_space<vmem>>
        %dma_start3A_191 = tpu.memref_slice %arg7[%mul3A_185] : memref<5184xi32, #tpu.memory_space<vmem>> -> memref<96xi32, #tpu.memory_space<vmem>>
        %dma_start3A_192 = arith.constant 0 : i32
        %dma_start3A_193 = arith.constant 0 : i32
        %dma_start3A_194 = tpu.memref_slice %arg2[%dma_start3A_192, %dma_start3A_193] : memref<10000x128xf32, #tpu.memory_space<hbm>> -> memref<10000x128xf32, #tpu.memory_space<hbm>>
        tpu.enqueue_indirect_dma source(%dma_start3A_194 : memref<10000x128xf32, #tpu.memory_space<hbm>>) target(%dma_start3A_190 : memref<96x128xf32, #tpu.memory_space<vmem>>) offsets(%dma_start3A_191 : memref<96xi32, #tpu.memory_space<vmem>>) semaphore(%arg11 : memref<!tpu.dma_semaphore, #tpu.memory_space<semaphore_mem>>)
      } else {
      }
      %add3A_159 = arith.constant 2 : i32
      %add3A_160 = arith.addi %mul3A_120, %add3A_159 : i32
      %mul3A_161 = arith.constant 96 : i32
      %mul3A_162 = arith.muli %add3A_160, %mul3A_161 : i32
      %dma_wait3A_163 = arith.constant 2 : i32
      %dma_wait3A_164 = arith.constant 0 : i32
      %dma_wait3A_165 = arith.constant 0 : i32
      %dma_wait3A_166 = tpu.memref_slice %arg9[%dma_wait3A_163, %dma_wait3A_164, %dma_wait3A_165] : memref<3x96x128xf32, #tpu.memory_space<vmem>> -> memref<1x96x128xf32, #tpu.memory_space<vmem>>
      %dma_wait3A_167 = tpu.memref_squeeze %dma_wait3A_166 : memref<1x96x128xf32, #tpu.memory_space<vmem>> -> memref<96x128xf32, #tpu.memory_space<vmem>>
      %dma_wait3A_168 = tpu.memref_slice %arg7[%mul3A_162] : memref<5184xi32, #tpu.memory_space<vmem>> -> memref<96xi32, #tpu.memory_space<vmem>>
      %dma_wait3A_169 = arith.constant 0 : i32
      %dma_wait3A_170 = arith.constant 0 : i32
      %dma_wait3A_171 = tpu.memref_slice %arg2[%dma_wait3A_169, %dma_wait3A_170] : memref<10000x128xf32, #tpu.memory_space<hbm>> -> memref<10000x128xf32, #tpu.memory_space<hbm>>
      tpu.wait_indirect_dma semaphore(%arg12 : memref<!tpu.dma_semaphore, #tpu.memory_space<semaphore_mem>>) src(%dma_wait3A_171 : memref<10000x128xf32, #tpu.memory_space<hbm>>) dst(%dma_wait3A_167 : memref<96x128xf32, #tpu.memory_space<vmem>>)
      %add3A_172 = arith.constant 2 : i32
      %add3A_173 = arith.addi %mul3A_120, %add3A_172 : i32
      %run_scoped3A_174 = arith.constant 2 : i32
      "tpu.region"() ({
        %run_scoped3A_182 = tpu.sem_alloc : memref<!tpu.dma_semaphore, #tpu.memory_space<semaphore_mem>>
        %dma_start3A_183 = arith.constant 0 : i32
        %dma_start3A_184 = arith.constant 0 : i32
        %dma_start3A_185 = tpu.memref_slice %arg9[%run_scoped3A_174, %dma_start3A_183, %dma_start3A_184] : memref<3x96x128xf32, #tpu.memory_space<vmem>> -> memref<1x96x128xf32, #tpu.memory_space<vmem>>
        %dma_start3A_186 = tpu.memref_squeeze %dma_start3A_185 : memref<1x96x128xf32, #tpu.memory_space<vmem>> -> memref<96x128xf32, #tpu.memory_space<vmem>>
        %dma_start3A_187 = arith.constant 0 : i32
        %dma_start3A_188 = tpu.memref_slice %arg8[%add3A_173, %dma_start3A_187] : memref<54x96xi32, #tpu.memory_space<vmem>> -> memref<1x96xi32, #tpu.memory_space<vmem>>
        %dma_start3A_189 = tpu.memref_squeeze %dma_start3A_188 : memref<1x96xi32, #tpu.memory_space<vmem>> -> memref<96xi32, #tpu.memory_space<vmem>>
        %dma_start3A_190 = arith.constant 0 : i32
        %dma_start3A_191 = arith.constant 0 : i32
        %dma_start3A_192 = tpu.memref_slice %arg6[%dma_start3A_190, %dma_start3A_191] : memref<10112x128xf32, #tpu.memory_space<vmem_shared>> -> memref<10112x128xf32, #tpu.memory_space<vmem_shared>>
        tpu.enqueue_indirect_dma source(%dma_start3A_186 : memref<96x128xf32, #tpu.memory_space<vmem>>) target(%dma_start3A_192 : memref<10112x128xf32, #tpu.memory_space<vmem_shared>>) offsets(%dma_start3A_189 : memref<96xi32, #tpu.memory_space<vmem>>) semaphore(%run_scoped3A_182 : memref<!tpu.dma_semaphore, #tpu.memory_space<semaphore_mem>>) {add = true}
        %dma_wait3A_193 = arith.constant 0 : i32
        %dma_wait3A_194 = arith.constant 0 : i32
        %dma_wait3A_195 = tpu.memref_slice %arg9[%run_scoped3A_174, %dma_wait3A_193, %dma_wait3A_194] : memref<3x96x128xf32, #tpu.memory_space<vmem>> -> memref<1x96x128xf32, #tpu.memory_space<vmem>>
        %dma_wait3A_196 = tpu.memref_squeeze %dma_wait3A_195 : memref<1x96x128xf32, #tpu.memory_space<vmem>> -> memref<96x128xf32, #tpu.memory_space<vmem>>
        %dma_wait3A_197 = arith.constant 0 : i32
        %dma_wait3A_198 = tpu.memref_slice %arg8[%add3A_173, %dma_wait3A_197] : memref<54x96xi32, #tpu.memory_space<vmem>> -> memref<1x96xi32, #tpu.memory_space<vmem>>
        %dma_wait3A_199 = tpu.memref_squeeze %dma_wait3A_198 : memref<1x96xi32, #tpu.memory_space<vmem>> -> memref<96xi32, #tpu.memory_space<vmem>>
        %dma_wait3A_200 = arith.constant 0 : i32
        %dma_wait3A_201 = arith.constant 0 : i32
        %dma_wait3A_202 = tpu.memref_slice %arg6[%dma_wait3A_200, %dma_wait3A_201] : memref<10112x128xf32, #tpu.memory_space<vmem_shared>> -> memref<10112x128xf32, #tpu.memory_space<vmem_shared>>
        tpu.wait_indirect_dma semaphore(%run_scoped3A_182 : memref<!tpu.dma_semaphore, #tpu.memory_space<semaphore_mem>>) src(%dma_wait3A_196 : memref<96x128xf32, #tpu.memory_space<vmem>>) dst(%dma_wait3A_202 : memref<10112x128xf32, #tpu.memory_space<vmem_shared>>)
        tpu.yield
      }) : () -> ()
      %add3A_175 = arith.constant 5 : i32
      %add3A_176 = arith.addi %mul3A_120, %add3A_175 : i32
      %lt3A_177 = arith.constant 54 : i32
      %lt3A_178 = arith.cmpi slt, %add3A_176, %lt3A_177 : i32
      %convert_element_type3A_179 = arith.extui %lt3A_178 : i1 to i32
      %cond3A_180 = arith.constant 0 : i32
      %cond3A_181 = arith.cmpi ne, %convert_element_type3A_179, %cond3A_180 : i32
      scf.if %cond3A_181 {
        %add3A_182 = arith.constant 5 : i32
        %add3A_183 = arith.addi %mul3A_120, %add3A_182 : i32
        %mul3A_184 = arith.constant 96 : i32
        %mul3A_185 = arith.muli %add3A_183, %mul3A_184 : i32
        %dma_start3A_186 = arith.constant 2 : i32
        %dma_start3A_187 = arith.constant 0 : i32
        %dma_start3A_188 = arith.constant 0 : i32
        %dma_start3A_189 = tpu.memref_slice %arg9[%dma_start3A_186, %dma_start3A_187, %dma_start3A_188] : memref<3x96x128xf32, #tpu.memory_space<vmem>> -> memref<1x96x128xf32, #tpu.memory_space<vmem>>
        %dma_start3A_190 = tpu.memref_squeeze %dma_start3A_189 : memref<1x96x128xf32, #tpu.memory_space<vmem>> -> memref<96x128xf32, #tpu.memory_space<vmem>>
        %dma_start3A_191 = tpu.memref_slice %arg7[%mul3A_185] : memref<5184xi32, #tpu.memory_space<vmem>> -> memref<96xi32, #tpu.memory_space<vmem>>
        %dma_start3A_192 = arith.constant 0 : i32
        %dma_start3A_193 = arith.constant 0 : i32
        %dma_start3A_194 = tpu.memref_slice %arg2[%dma_start3A_192, %dma_start3A_193] : memref<10000x128xf32, #tpu.memory_space<hbm>> -> memref<10000x128xf32, #tpu.memory_space<hbm>>
        tpu.enqueue_indirect_dma source(%dma_start3A_194 : memref<10000x128xf32, #tpu.memory_space<hbm>>) target(%dma_start3A_190 : memref<96x128xf32, #tpu.memory_space<vmem>>) offsets(%dma_start3A_191 : memref<96xi32, #tpu.memory_space<vmem>>) semaphore(%arg12 : memref<!tpu.dma_semaphore, #tpu.memory_space<semaphore_mem>>)
      } else {
      }
    }
    %scan3A_69 = arith.constant 18 : i32
    %mul3A_70 = arith.constant 2 : i32
    %mul3A_71 = arith.muli %mul3A_70, %add3A : i32
    %add3A_72 = arith.constant 1 : i32
    %add3A_73 = arith.addi %mul3A_71, %add3A_72 : i32
    %mul3A_74 = arith.constant 5184 : i32
    %mul3A_75 = arith.muli %add3A_73, %mul3A_74 : i32
    "tpu.region"() ({
      %run_scoped3A_118 = tpu.sem_alloc : memref<!tpu.dma_semaphore, #tpu.memory_space<semaphore_mem>>
      %dma_start3A_119 = tpu.memref_slice %arg3[%mul3A_75] : memref<331776xi32, #tpu.memory_space<hbm>> -> memref<5184xi32, #tpu.memory_space<hbm>>
      %dma_start3A_120 = tpu.memref_slice %arg3[%mul3A_75] : memref<331776xi32, #tpu.memory_space<hbm>> -> memref<5184xi32, #tpu.memory_space<hbm>>
      tpu.enqueue_dma source(%dma_start3A_120 : memref<5184xi32, #tpu.memory_space<hbm>>) target(%arg7 : memref<5184xi32, #tpu.memory_space<vmem>>) target_semaphore(%run_scoped3A_118 : memref<!tpu.dma_semaphore, #tpu.memory_space<semaphore_mem>>)
      %dma_wait3A = tpu.memref_slice %arg3[%mul3A_75] : memref<331776xi32, #tpu.memory_space<hbm>> -> memref<5184xi32, #tpu.memory_space<hbm>>
      %dma_wait3A_121 = tpu.memref_slice %arg3[%mul3A_75] : memref<331776xi32, #tpu.memory_space<hbm>> -> memref<5184xi32, #tpu.memory_space<hbm>>
      tpu.wait_dma2 semaphore(%run_scoped3A_118 : memref<!tpu.dma_semaphore, #tpu.memory_space<semaphore_mem>>) src(%dma_wait3A_121 : memref<5184xi32, #tpu.memory_space<hbm>>) dst(%arg7 : memref<5184xi32, #tpu.memory_space<vmem>>)
      tpu.yield
    }) : () -> ()
    %run_scoped3A_76 = arith.constant 1 : i32
    "tpu.region"() ({
      %run_scoped3A_118 = tpu.sem_alloc : memref<!tpu.dma_semaphore, #tpu.memory_space<semaphore_mem>>
      %dma_start3A_119 = arith.constant 0 : i32
      %dma_start3A_120 = arith.constant 0 : i32
      %dma_start3A_121 = tpu.memref_slice %arg4[%add3A, %run_scoped3A_76, %dma_start3A_119, %dma_start3A_120] : memref<32x2x54x96xi32, #tpu.memory_space<hbm>> -> memref<1x1x54x96xi32, #tpu.memory_space<hbm>>
      %dma_start3A_122 = tpu.memref_squeeze %dma_start3A_121 : memref<1x1x54x96xi32, #tpu.memory_space<hbm>> -> memref<54x96xi32, #tpu.memory_space<hbm>>
      %dma_start3A_123 = arith.constant 0 : i32
      %dma_start3A_124 = arith.constant 0 : i32
      %dma_start3A_125 = tpu.memref_slice %arg4[%add3A, %run_scoped3A_76, %dma_start3A_123, %dma_start3A_124] : memref<32x2x54x96xi32, #tpu.memory_space<hbm>> -> memref<1x1x54x96xi32, #tpu.memory_space<hbm>>
      %dma_start3A_126 = tpu.memref_squeeze %dma_start3A_125 : memref<1x1x54x96xi32, #tpu.memory_space<hbm>> -> memref<54x96xi32, #tpu.memory_space<hbm>>
      tpu.enqueue_dma source(%dma_start3A_126 : memref<54x96xi32, #tpu.memory_space<hbm>>) target(%arg8 : memref<54x96xi32, #tpu.memory_space<vmem>>) target_semaphore(%run_scoped3A_118 : memref<!tpu.dma_semaphore, #tpu.memory_space<semaphore_mem>>)
      %dma_wait3A = arith.constant 0 : i32
      %dma_wait3A_127 = arith.constant 0 : i32
      %dma_wait3A_128 = tpu.memref_slice %arg4[%add3A, %run_scoped3A_76, %dma_wait3A, %dma_wait3A_127] : memref<32x2x54x96xi32, #tpu.memory_space<hbm>> -> memref<1x1x54x96xi32, #tpu.memory_space<hbm>>
      %dma_wait3A_129 = tpu.memref_squeeze %dma_wait3A_128 : memref<1x1x54x96xi32, #tpu.memory_space<hbm>> -> memref<54x96xi32, #tpu.memory_space<hbm>>
      %dma_wait3A_130 = arith.constant 0 : i32
      %dma_wait3A_131 = arith.constant 0 : i32
      %dma_wait3A_132 = tpu.memref_slice %arg4[%add3A, %run_scoped3A_76, %dma_wait3A_130, %dma_wait3A_131] : memref<32x2x54x96xi32, #tpu.memory_space<hbm>> -> memref<1x1x54x96xi32, #tpu.memory_space<hbm>>
      %dma_wait3A_133 = tpu.memref_squeeze %dma_wait3A_132 : memref<1x1x54x96xi32, #tpu.memory_space<hbm>> -> memref<54x96xi32, #tpu.memory_space<hbm>>
      tpu.wait_dma2 semaphore(%run_scoped3A_118 : memref<!tpu.dma_semaphore, #tpu.memory_space<semaphore_mem>>) src(%dma_wait3A_133 : memref<54x96xi32, #tpu.memory_space<hbm>>) dst(%arg8 : memref<54x96xi32, #tpu.memory_space<vmem>>)
      tpu.yield
    }) : () -> ()
    %dma_start3A_77 = arith.constant 0 : i32
    %dma_start3A_78 = arith.constant 0 : i32
    %dma_start3A_79 = arith.constant 0 : i32
    %dma_start3A_80 = tpu.memref_slice %arg9[%dma_start3A_77, %dma_start3A_78, %dma_start3A_79] : memref<3x96x128xf32, #tpu.memory_space<vmem>> -> memref<1x96x128xf32, #tpu.memory_space<vmem>>
    %dma_start3A_81 = tpu.memref_squeeze %dma_start3A_80 : memref<1x96x128xf32, #tpu.memory_space<vmem>> -> memref<96x128xf32, #tpu.memory_space<vmem>>
    %dma_start3A_82 = arith.constant 0 : i32
    %dma_start3A_83 = tpu.memref_slice %arg7[%dma_start3A_82] : memref<5184xi32, #tpu.memory_space<vmem>> -> memref<96xi32, #tpu.memory_space<vmem>>
    %dma_start3A_84 = arith.constant 0 : i32
    %dma_start3A_85 = arith.constant 0 : i32
    %dma_start3A_86 = tpu.memref_slice %arg2[%dma_start3A_84, %dma_start3A_85] : memref<10000x128xf32, #tpu.memory_space<hbm>> -> memref<10000x128xf32, #tpu.memory_space<hbm>>
    tpu.enqueue_indirect_dma source(%dma_start3A_86 : memref<10000x128xf32, #tpu.memory_space<hbm>>) target(%dma_start3A_81 : memref<96x128xf32, #tpu.memory_space<vmem>>) offsets(%dma_start3A_83 : memref<96xi32, #tpu.memory_space<vmem>>) semaphore(%arg10 : memref<!tpu.dma_semaphore, #tpu.memory_space<semaphore_mem>>)
    %dma_start3A_87 = arith.constant 1 : i32
    %dma_start3A_88 = arith.constant 0 : i32
    %dma_start3A_89 = arith.constant 0 : i32
    %dma_start3A_90 = tpu.memref_slice %arg9[%dma_start3A_87, %dma_start3A_88, %dma_start3A_89] : memref<3x96x128xf32, #tpu.memory_space<vmem>> -> memref<1x96x128xf32, #tpu.memory_space<vmem>>
    %dma_start3A_91 = tpu.memref_squeeze %dma_start3A_90 : memref<1x96x128xf32, #tpu.memory_space<vmem>> -> memref<96x128xf32, #tpu.memory_space<vmem>>
    %dma_start3A_92 = arith.constant 96 : i32
    %dma_start3A_93 = tpu.memref_slice %arg7[%dma_start3A_92] : memref<5184xi32, #tpu.memory_space<vmem>> -> memref<96xi32, #tpu.memory_space<vmem>>
    %dma_start3A_94 = arith.constant 0 : i32
    %dma_start3A_95 = arith.constant 0 : i32
    %dma_start3A_96 = tpu.memref_slice %arg2[%dma_start3A_94, %dma_start3A_95] : memref<10000x128xf32, #tpu.memory_space<hbm>> -> memref<10000x128xf32, #tpu.memory_space<hbm>>
    tpu.enqueue_indirect_dma source(%dma_start3A_96 : memref<10000x128xf32, #tpu.memory_space<hbm>>) target(%dma_start3A_91 : memref<96x128xf32, #tpu.memory_space<vmem>>) offsets(%dma_start3A_93 : memref<96xi32, #tpu.memory_space<vmem>>) semaphore(%arg11 : memref<!tpu.dma_semaphore, #tpu.memory_space<semaphore_mem>>)
    %dma_start3A_97 = arith.constant 2 : i32
    %dma_start3A_98 = arith.constant 0 : i32
    %dma_start3A_99 = arith.constant 0 : i32
    %dma_start3A_100 = tpu.memref_slice %arg9[%dma_start3A_97, %dma_start3A_98, %dma_start3A_99] : memref<3x96x128xf32, #tpu.memory_space<vmem>> -> memref<1x96x128xf32, #tpu.memory_space<vmem>>
    %dma_start3A_101 = tpu.memref_squeeze %dma_start3A_100 : memref<1x96x128xf32, #tpu.memory_space<vmem>> -> memref<96x128xf32, #tpu.memory_space<vmem>>
    %dma_start3A_102 = arith.constant 192 : i32
    %dma_start3A_103 = tpu.memref_slice %arg7[%dma_start3A_102] : memref<5184xi32, #tpu.memory_space<vmem>> -> memref<96xi32, #tpu.memory_space<vmem>>
    %dma_start3A_104 = arith.constant 0 : i32
    %dma_start3A_105 = arith.constant 0 : i32
    %dma_start3A_106 = tpu.memref_slice %arg2[%dma_start3A_104, %dma_start3A_105] : memref<10000x128xf32, #tpu.memory_space<hbm>> -> memref<10000x128xf32, #tpu.memory_space<hbm>>
    tpu.enqueue_indirect_dma source(%dma_start3A_106 : memref<10000x128xf32, #tpu.memory_space<hbm>>) target(%dma_start3A_101 : memref<96x128xf32, #tpu.memory_space<vmem>>) offsets(%dma_start3A_103 : memref<96xi32, #tpu.memory_space<vmem>>) semaphore(%arg12 : memref<!tpu.dma_semaphore, #tpu.memory_space<semaphore_mem>>)
    %scan3A_107 = arith.constant 0 : i32
    %scan3A_108 = arith.constant 0 : i32
    %scan3A_109 = arith.constant 18 : i32
    %scan3A_110 = arith.addi %scan3A_108, %scan3A_109 : i32
    %scan3A_111 = arith.constant 1 : i32
    scf.for %scan3A_118 = %scan3A_108 to %scan3A_110 step %scan3A_111  : i32 {
      %mul3A_119 = arith.constant 3 : i32
      %mul3A_120 = arith.muli %mul3A_119, %scan3A_118 : i32
      %mul3A_121 = arith.constant 96 : i32
      %mul3A_122 = arith.muli %mul3A_120, %mul3A_121 : i32
      %dma_wait3A = arith.constant 0 : i32
      %dma_wait3A_123 = arith.constant 0 : i32
      %dma_wait3A_124 = arith.constant 0 : i32
      %dma_wait3A_125 = tpu.memref_slice %arg9[%dma_wait3A, %dma_wait3A_123, %dma_wait3A_124] : memref<3x96x128xf32, #tpu.memory_space<vmem>> -> memref<1x96x128xf32, #tpu.memory_space<vmem>>
      %dma_wait3A_126 = tpu.memref_squeeze %dma_wait3A_125 : memref<1x96x128xf32, #tpu.memory_space<vmem>> -> memref<96x128xf32, #tpu.memory_space<vmem>>
      %dma_wait3A_127 = tpu.memref_slice %arg7[%mul3A_122] : memref<5184xi32, #tpu.memory_space<vmem>> -> memref<96xi32, #tpu.memory_space<vmem>>
      %dma_wait3A_128 = arith.constant 0 : i32
      %dma_wait3A_129 = arith.constant 0 : i32
      %dma_wait3A_130 = tpu.memref_slice %arg2[%dma_wait3A_128, %dma_wait3A_129] : memref<10000x128xf32, #tpu.memory_space<hbm>> -> memref<10000x128xf32, #tpu.memory_space<hbm>>
      tpu.wait_indirect_dma semaphore(%arg10 : memref<!tpu.dma_semaphore, #tpu.memory_space<semaphore_mem>>) src(%dma_wait3A_130 : memref<10000x128xf32, #tpu.memory_space<hbm>>) dst(%dma_wait3A_126 : memref<96x128xf32, #tpu.memory_space<vmem>>)
      %run_scoped3A_131 = arith.constant 0 : i32
      "tpu.region"() ({
        %run_scoped3A_182 = tpu.sem_alloc : memref<!tpu.dma_semaphore, #tpu.memory_space<semaphore_mem>>
        %dma_start3A_183 = arith.constant 0 : i32
        %dma_start3A_184 = arith.constant 0 : i32
        %dma_start3A_185 = tpu.memref_slice %arg9[%run_scoped3A_131, %dma_start3A_183, %dma_start3A_184] : memref<3x96x128xf32, #tpu.memory_space<vmem>> -> memref<1x96x128xf32, #tpu.memory_space<vmem>>
        %dma_start3A_186 = tpu.memref_squeeze %dma_start3A_185 : memref<1x96x128xf32, #tpu.memory_space<vmem>> -> memref<96x128xf32, #tpu.memory_space<vmem>>
        %dma_start3A_187 = arith.constant 0 : i32
        %dma_start3A_188 = tpu.memref_slice %arg8[%mul3A_120, %dma_start3A_187] : memref<54x96xi32, #tpu.memory_space<vmem>> -> memref<1x96xi32, #tpu.memory_space<vmem>>
        %dma_start3A_189 = tpu.memref_squeeze %dma_start3A_188 : memref<1x96xi32, #tpu.memory_space<vmem>> -> memref<96xi32, #tpu.memory_space<vmem>>
        %dma_start3A_190 = arith.constant 0 : i32
        %dma_start3A_191 = arith.constant 0 : i32
        %dma_start3A_192 = tpu.memref_slice %arg6[%dma_start3A_190, %dma_start3A_191] : memref<10112x128xf32, #tpu.memory_space<vmem_shared>> -> memref<10112x128xf32, #tpu.memory_space<vmem_shared>>
        tpu.enqueue_indirect_dma source(%dma_start3A_186 : memref<96x128xf32, #tpu.memory_space<vmem>>) target(%dma_start3A_192 : memref<10112x128xf32, #tpu.memory_space<vmem_shared>>) offsets(%dma_start3A_189 : memref<96xi32, #tpu.memory_space<vmem>>) semaphore(%run_scoped3A_182 : memref<!tpu.dma_semaphore, #tpu.memory_space<semaphore_mem>>) {add = true}
        %dma_wait3A_193 = arith.constant 0 : i32
        %dma_wait3A_194 = arith.constant 0 : i32
        %dma_wait3A_195 = tpu.memref_slice %arg9[%run_scoped3A_131, %dma_wait3A_193, %dma_wait3A_194] : memref<3x96x128xf32, #tpu.memory_space<vmem>> -> memref<1x96x128xf32, #tpu.memory_space<vmem>>
        %dma_wait3A_196 = tpu.memref_squeeze %dma_wait3A_195 : memref<1x96x128xf32, #tpu.memory_space<vmem>> -> memref<96x128xf32, #tpu.memory_space<vmem>>
        %dma_wait3A_197 = arith.constant 0 : i32
        %dma_wait3A_198 = tpu.memref_slice %arg8[%mul3A_120, %dma_wait3A_197] : memref<54x96xi32, #tpu.memory_space<vmem>> -> memref<1x96xi32, #tpu.memory_space<vmem>>
        %dma_wait3A_199 = tpu.memref_squeeze %dma_wait3A_198 : memref<1x96xi32, #tpu.memory_space<vmem>> -> memref<96xi32, #tpu.memory_space<vmem>>
        %dma_wait3A_200 = arith.constant 0 : i32
        %dma_wait3A_201 = arith.constant 0 : i32
        %dma_wait3A_202 = tpu.memref_slice %arg6[%dma_wait3A_200, %dma_wait3A_201] : memref<10112x128xf32, #tpu.memory_space<vmem_shared>> -> memref<10112x128xf32, #tpu.memory_space<vmem_shared>>
        tpu.wait_indirect_dma semaphore(%run_scoped3A_182 : memref<!tpu.dma_semaphore, #tpu.memory_space<semaphore_mem>>) src(%dma_wait3A_196 : memref<96x128xf32, #tpu.memory_space<vmem>>) dst(%dma_wait3A_202 : memref<10112x128xf32, #tpu.memory_space<vmem_shared>>)
        tpu.yield
      }) : () -> ()
      %add3A_132 = arith.constant 3 : i32
      %add3A_133 = arith.addi %mul3A_120, %add3A_132 : i32
      %lt3A = arith.constant 54 : i32
      %lt3A_134 = arith.cmpi slt, %add3A_133, %lt3A : i32
      %convert_element_type3A = arith.extui %lt3A_134 : i1 to i32
      %cond3A = arith.constant 0 : i32
      %cond3A_135 = arith.cmpi ne, %convert_element_type3A, %cond3A : i32
      scf.if %cond3A_135 {
        %add3A_182 = arith.constant 3 : i32
        %add3A_183 = arith.addi %mul3A_120, %add3A_182 : i32
        %mul3A_184 = arith.constant 96 : i32
        %mul3A_185 = arith.muli %add3A_183, %mul3A_184 : i32
        %dma_start3A_186 = arith.constant 0 : i32
        %dma_start3A_187 = arith.constant 0 : i32
        %dma_start3A_188 = arith.constant 0 : i32
        %dma_start3A_189 = tpu.memref_slice %arg9[%dma_start3A_186, %dma_start3A_187, %dma_start3A_188] : memref<3x96x128xf32, #tpu.memory_space<vmem>> -> memref<1x96x128xf32, #tpu.memory_space<vmem>>
        %dma_start3A_190 = tpu.memref_squeeze %dma_start3A_189 : memref<1x96x128xf32, #tpu.memory_space<vmem>> -> memref<96x128xf32, #tpu.memory_space<vmem>>
        %dma_start3A_191 = tpu.memref_slice %arg7[%mul3A_185] : memref<5184xi32, #tpu.memory_space<vmem>> -> memref<96xi32, #tpu.memory_space<vmem>>
        %dma_start3A_192 = arith.constant 0 : i32
        %dma_start3A_193 = arith.constant 0 : i32
        %dma_start3A_194 = tpu.memref_slice %arg2[%dma_start3A_192, %dma_start3A_193] : memref<10000x128xf32, #tpu.memory_space<hbm>> -> memref<10000x128xf32, #tpu.memory_space<hbm>>
        tpu.enqueue_indirect_dma source(%dma_start3A_194 : memref<10000x128xf32, #tpu.memory_space<hbm>>) target(%dma_start3A_190 : memref<96x128xf32, #tpu.memory_space<vmem>>) offsets(%dma_start3A_191 : memref<96xi32, #tpu.memory_space<vmem>>) semaphore(%arg10 : memref<!tpu.dma_semaphore, #tpu.memory_space<semaphore_mem>>)
      } else {
      }
      %add3A_136 = arith.constant 1 : i32
      %add3A_137 = arith.addi %mul3A_120, %add3A_136 : i32
      %mul3A_138 = arith.constant 96 : i32
      %mul3A_139 = arith.muli %add3A_137, %mul3A_138 : i32
      %dma_wait3A_140 = arith.constant 1 : i32
      %dma_wait3A_141 = arith.constant 0 : i32
      %dma_wait3A_142 = arith.constant 0 : i32
      %dma_wait3A_143 = tpu.memref_slice %arg9[%dma_wait3A_140, %dma_wait3A_141, %dma_wait3A_142] : memref<3x96x128xf32, #tpu.memory_space<vmem>> -> memref<1x96x128xf32, #tpu.memory_space<vmem>>
      %dma_wait3A_144 = tpu.memref_squeeze %dma_wait3A_143 : memref<1x96x128xf32, #tpu.memory_space<vmem>> -> memref<96x128xf32, #tpu.memory_space<vmem>>
      %dma_wait3A_145 = tpu.memref_slice %arg7[%mul3A_139] : memref<5184xi32, #tpu.memory_space<vmem>> -> memref<96xi32, #tpu.memory_space<vmem>>
      %dma_wait3A_146 = arith.constant 0 : i32
      %dma_wait3A_147 = arith.constant 0 : i32
      %dma_wait3A_148 = tpu.memref_slice %arg2[%dma_wait3A_146, %dma_wait3A_147] : memref<10000x128xf32, #tpu.memory_space<hbm>> -> memref<10000x128xf32, #tpu.memory_space<hbm>>
      tpu.wait_indirect_dma semaphore(%arg11 : memref<!tpu.dma_semaphore, #tpu.memory_space<semaphore_mem>>) src(%dma_wait3A_148 : memref<10000x128xf32, #tpu.memory_space<hbm>>) dst(%dma_wait3A_144 : memref<96x128xf32, #tpu.memory_space<vmem>>)
      %add3A_149 = arith.constant 1 : i32
      %add3A_150 = arith.addi %mul3A_120, %add3A_149 : i32
      %run_scoped3A_151 = arith.constant 1 : i32
      "tpu.region"() ({
        %run_scoped3A_182 = tpu.sem_alloc : memref<!tpu.dma_semaphore, #tpu.memory_space<semaphore_mem>>
        %dma_start3A_183 = arith.constant 0 : i32
        %dma_start3A_184 = arith.constant 0 : i32
        %dma_start3A_185 = tpu.memref_slice %arg9[%run_scoped3A_151, %dma_start3A_183, %dma_start3A_184] : memref<3x96x128xf32, #tpu.memory_space<vmem>> -> memref<1x96x128xf32, #tpu.memory_space<vmem>>
        %dma_start3A_186 = tpu.memref_squeeze %dma_start3A_185 : memref<1x96x128xf32, #tpu.memory_space<vmem>> -> memref<96x128xf32, #tpu.memory_space<vmem>>
        %dma_start3A_187 = arith.constant 0 : i32
        %dma_start3A_188 = tpu.memref_slice %arg8[%add3A_150, %dma_start3A_187] : memref<54x96xi32, #tpu.memory_space<vmem>> -> memref<1x96xi32, #tpu.memory_space<vmem>>
        %dma_start3A_189 = tpu.memref_squeeze %dma_start3A_188 : memref<1x96xi32, #tpu.memory_space<vmem>> -> memref<96xi32, #tpu.memory_space<vmem>>
        %dma_start3A_190 = arith.constant 0 : i32
        %dma_start3A_191 = arith.constant 0 : i32
        %dma_start3A_192 = tpu.memref_slice %arg6[%dma_start3A_190, %dma_start3A_191] : memref<10112x128xf32, #tpu.memory_space<vmem_shared>> -> memref<10112x128xf32, #tpu.memory_space<vmem_shared>>
        tpu.enqueue_indirect_dma source(%dma_start3A_186 : memref<96x128xf32, #tpu.memory_space<vmem>>) target(%dma_start3A_192 : memref<10112x128xf32, #tpu.memory_space<vmem_shared>>) offsets(%dma_start3A_189 : memref<96xi32, #tpu.memory_space<vmem>>) semaphore(%run_scoped3A_182 : memref<!tpu.dma_semaphore, #tpu.memory_space<semaphore_mem>>) {add = true}
        %dma_wait3A_193 = arith.constant 0 : i32
        %dma_wait3A_194 = arith.constant 0 : i32
        %dma_wait3A_195 = tpu.memref_slice %arg9[%run_scoped3A_151, %dma_wait3A_193, %dma_wait3A_194] : memref<3x96x128xf32, #tpu.memory_space<vmem>> -> memref<1x96x128xf32, #tpu.memory_space<vmem>>
        %dma_wait3A_196 = tpu.memref_squeeze %dma_wait3A_195 : memref<1x96x128xf32, #tpu.memory_space<vmem>> -> memref<96x128xf32, #tpu.memory_space<vmem>>
        %dma_wait3A_197 = arith.constant 0 : i32
        %dma_wait3A_198 = tpu.memref_slice %arg8[%add3A_150, %dma_wait3A_197] : memref<54x96xi32, #tpu.memory_space<vmem>> -> memref<1x96xi32, #tpu.memory_space<vmem>>
        %dma_wait3A_199 = tpu.memref_squeeze %dma_wait3A_198 : memref<1x96xi32, #tpu.memory_space<vmem>> -> memref<96xi32, #tpu.memory_space<vmem>>
        %dma_wait3A_200 = arith.constant 0 : i32
        %dma_wait3A_201 = arith.constant 0 : i32
        %dma_wait3A_202 = tpu.memref_slice %arg6[%dma_wait3A_200, %dma_wait3A_201] : memref<10112x128xf32, #tpu.memory_space<vmem_shared>> -> memref<10112x128xf32, #tpu.memory_space<vmem_shared>>
        tpu.wait_indirect_dma semaphore(%run_scoped3A_182 : memref<!tpu.dma_semaphore, #tpu.memory_space<semaphore_mem>>) src(%dma_wait3A_196 : memref<96x128xf32, #tpu.memory_space<vmem>>) dst(%dma_wait3A_202 : memref<10112x128xf32, #tpu.memory_space<vmem_shared>>)
        tpu.yield
      }) : () -> ()
      %add3A_152 = arith.constant 4 : i32
      %add3A_153 = arith.addi %mul3A_120, %add3A_152 : i32
      %lt3A_154 = arith.constant 54 : i32
      %lt3A_155 = arith.cmpi slt, %add3A_153, %lt3A_154 : i32
      %convert_element_type3A_156 = arith.extui %lt3A_155 : i1 to i32
      %cond3A_157 = arith.constant 0 : i32
      %cond3A_158 = arith.cmpi ne, %convert_element_type3A_156, %cond3A_157 : i32
      scf.if %cond3A_158 {
        %add3A_182 = arith.constant 4 : i32
        %add3A_183 = arith.addi %mul3A_120, %add3A_182 : i32
        %mul3A_184 = arith.constant 96 : i32
        %mul3A_185 = arith.muli %add3A_183, %mul3A_184 : i32
        %dma_start3A_186 = arith.constant 1 : i32
        %dma_start3A_187 = arith.constant 0 : i32
        %dma_start3A_188 = arith.constant 0 : i32
        %dma_start3A_189 = tpu.memref_slice %arg9[%dma_start3A_186, %dma_start3A_187, %dma_start3A_188] : memref<3x96x128xf32, #tpu.memory_space<vmem>> -> memref<1x96x128xf32, #tpu.memory_space<vmem>>
        %dma_start3A_190 = tpu.memref_squeeze %dma_start3A_189 : memref<1x96x128xf32, #tpu.memory_space<vmem>> -> memref<96x128xf32, #tpu.memory_space<vmem>>
        %dma_start3A_191 = tpu.memref_slice %arg7[%mul3A_185] : memref<5184xi32, #tpu.memory_space<vmem>> -> memref<96xi32, #tpu.memory_space<vmem>>
        %dma_start3A_192 = arith.constant 0 : i32
        %dma_start3A_193 = arith.constant 0 : i32
        %dma_start3A_194 = tpu.memref_slice %arg2[%dma_start3A_192, %dma_start3A_193] : memref<10000x128xf32, #tpu.memory_space<hbm>> -> memref<10000x128xf32, #tpu.memory_space<hbm>>
        tpu.enqueue_indirect_dma source(%dma_start3A_194 : memref<10000x128xf32, #tpu.memory_space<hbm>>) target(%dma_start3A_190 : memref<96x128xf32, #tpu.memory_space<vmem>>) offsets(%dma_start3A_191 : memref<96xi32, #tpu.memory_space<vmem>>) semaphore(%arg11 : memref<!tpu.dma_semaphore, #tpu.memory_space<semaphore_mem>>)
      } else {
      }
      %add3A_159 = arith.constant 2 : i32
      %add3A_160 = arith.addi %mul3A_120, %add3A_159 : i32
      %mul3A_161 = arith.constant 96 : i32
      %mul3A_162 = arith.muli %add3A_160, %mul3A_161 : i32
      %dma_wait3A_163 = arith.constant 2 : i32
      %dma_wait3A_164 = arith.constant 0 : i32
      %dma_wait3A_165 = arith.constant 0 : i32
      %dma_wait3A_166 = tpu.memref_slice %arg9[%dma_wait3A_163, %dma_wait3A_164, %dma_wait3A_165] : memref<3x96x128xf32, #tpu.memory_space<vmem>> -> memref<1x96x128xf32, #tpu.memory_space<vmem>>
      %dma_wait3A_167 = tpu.memref_squeeze %dma_wait3A_166 : memref<1x96x128xf32, #tpu.memory_space<vmem>> -> memref<96x128xf32, #tpu.memory_space<vmem>>
      %dma_wait3A_168 = tpu.memref_slice %arg7[%mul3A_162] : memref<5184xi32, #tpu.memory_space<vmem>> -> memref<96xi32, #tpu.memory_space<vmem>>
      %dma_wait3A_169 = arith.constant 0 : i32
      %dma_wait3A_170 = arith.constant 0 : i32
      %dma_wait3A_171 = tpu.memref_slice %arg2[%dma_wait3A_169, %dma_wait3A_170] : memref<10000x128xf32, #tpu.memory_space<hbm>> -> memref<10000x128xf32, #tpu.memory_space<hbm>>
      tpu.wait_indirect_dma semaphore(%arg12 : memref<!tpu.dma_semaphore, #tpu.memory_space<semaphore_mem>>) src(%dma_wait3A_171 : memref<10000x128xf32, #tpu.memory_space<hbm>>) dst(%dma_wait3A_167 : memref<96x128xf32, #tpu.memory_space<vmem>>)
      %add3A_172 = arith.constant 2 : i32
      %add3A_173 = arith.addi %mul3A_120, %add3A_172 : i32
      %run_scoped3A_174 = arith.constant 2 : i32
      "tpu.region"() ({
        %run_scoped3A_182 = tpu.sem_alloc : memref<!tpu.dma_semaphore, #tpu.memory_space<semaphore_mem>>
        %dma_start3A_183 = arith.constant 0 : i32
        %dma_start3A_184 = arith.constant 0 : i32
        %dma_start3A_185 = tpu.memref_slice %arg9[%run_scoped3A_174, %dma_start3A_183, %dma_start3A_184] : memref<3x96x128xf32, #tpu.memory_space<vmem>> -> memref<1x96x128xf32, #tpu.memory_space<vmem>>
        %dma_start3A_186 = tpu.memref_squeeze %dma_start3A_185 : memref<1x96x128xf32, #tpu.memory_space<vmem>> -> memref<96x128xf32, #tpu.memory_space<vmem>>
        %dma_start3A_187 = arith.constant 0 : i32
        %dma_start3A_188 = tpu.memref_slice %arg8[%add3A_173, %dma_start3A_187] : memref<54x96xi32, #tpu.memory_space<vmem>> -> memref<1x96xi32, #tpu.memory_space<vmem>>
        %dma_start3A_189 = tpu.memref_squeeze %dma_start3A_188 : memref<1x96xi32, #tpu.memory_space<vmem>> -> memref<96xi32, #tpu.memory_space<vmem>>
        %dma_start3A_190 = arith.constant 0 : i32
        %dma_start3A_191 = arith.constant 0 : i32
        %dma_start3A_192 = tpu.memref_slice %arg6[%dma_start3A_190, %dma_start3A_191] : memref<10112x128xf32, #tpu.memory_space<vmem_shared>> -> memref<10112x128xf32, #tpu.memory_space<vmem_shared>>
        tpu.enqueue_indirect_dma source(%dma_start3A_186 : memref<96x128xf32, #tpu.memory_space<vmem>>) target(%dma_start3A_192 : memref<10112x128xf32, #tpu.memory_space<vmem_shared>>) offsets(%dma_start3A_189 : memref<96xi32, #tpu.memory_space<vmem>>) semaphore(%run_scoped3A_182 : memref<!tpu.dma_semaphore, #tpu.memory_space<semaphore_mem>>) {add = true}
        %dma_wait3A_193 = arith.constant 0 : i32
        %dma_wait3A_194 = arith.constant 0 : i32
        %dma_wait3A_195 = tpu.memref_slice %arg9[%run_scoped3A_174, %dma_wait3A_193, %dma_wait3A_194] : memref<3x96x128xf32, #tpu.memory_space<vmem>> -> memref<1x96x128xf32, #tpu.memory_space<vmem>>
        %dma_wait3A_196 = tpu.memref_squeeze %dma_wait3A_195 : memref<1x96x128xf32, #tpu.memory_space<vmem>> -> memref<96x128xf32, #tpu.memory_space<vmem>>
        %dma_wait3A_197 = arith.constant 0 : i32
        %dma_wait3A_198 = tpu.memref_slice %arg8[%add3A_173, %dma_wait3A_197] : memref<54x96xi32, #tpu.memory_space<vmem>> -> memref<1x96xi32, #tpu.memory_space<vmem>>
        %dma_wait3A_199 = tpu.memref_squeeze %dma_wait3A_198 : memref<1x96xi32, #tpu.memory_space<vmem>> -> memref<96xi32, #tpu.memory_space<vmem>>
        %dma_wait3A_200 = arith.constant 0 : i32
        %dma_wait3A_201 = arith.constant 0 : i32
        %dma_wait3A_202 = tpu.memref_slice %arg6[%dma_wait3A_200, %dma_wait3A_201] : memref<10112x128xf32, #tpu.memory_space<vmem_shared>> -> memref<10112x128xf32, #tpu.memory_space<vmem_shared>>
        tpu.wait_indirect_dma semaphore(%run_scoped3A_182 : memref<!tpu.dma_semaphore, #tpu.memory_space<semaphore_mem>>) src(%dma_wait3A_196 : memref<96x128xf32, #tpu.memory_space<vmem>>) dst(%dma_wait3A_202 : memref<10112x128xf32, #tpu.memory_space<vmem_shared>>)
        tpu.yield
      }) : () -> ()
      %add3A_175 = arith.constant 5 : i32
      %add3A_176 = arith.addi %mul3A_120, %add3A_175 : i32
      %lt3A_177 = arith.constant 54 : i32
      %lt3A_178 = arith.cmpi slt, %add3A_176, %lt3A_177 : i32
      %convert_element_type3A_179 = arith.extui %lt3A_178 : i1 to i32
      %cond3A_180 = arith.constant 0 : i32
      %cond3A_181 = arith.cmpi ne, %convert_element_type3A_179, %cond3A_180 : i32
      scf.if %cond3A_181 {
        %add3A_182 = arith.constant 5 : i32
        %add3A_183 = arith.addi %mul3A_120, %add3A_182 : i32
        %mul3A_184 = arith.constant 96 : i32
        %mul3A_185 = arith.muli %add3A_183, %mul3A_184 : i32
        %dma_start3A_186 = arith.constant 2 : i32
        %dma_start3A_187 = arith.constant 0 : i32
        %dma_start3A_188 = arith.constant 0 : i32
        %dma_start3A_189 = tpu.memref_slice %arg9[%dma_start3A_186, %dma_start3A_187, %dma_start3A_188] : memref<3x96x128xf32, #tpu.memory_space<vmem>> -> memref<1x96x128xf32, #tpu.memory_space<vmem>>
        %dma_start3A_190 = tpu.memref_squeeze %dma_start3A_189 : memref<1x96x128xf32, #tpu.memory_space<vmem>> -> memref<96x128xf32, #tpu.memory_space<vmem>>
        %dma_start3A_191 = tpu.memref_slice %arg7[%mul3A_185] : memref<5184xi32, #tpu.memory_space<vmem>> -> memref<96xi32, #tpu.memory_space<vmem>>
        %dma_start3A_192 = arith.constant 0 : i32
        %dma_start3A_193 = arith.constant 0 : i32
        %dma_start3A_194 = tpu.memref_slice %arg2[%dma_start3A_192, %dma_start3A_193] : memref<10000x128xf32, #tpu.memory_space<hbm>> -> memref<10000x128xf32, #tpu.memory_space<hbm>>
        tpu.enqueue_indirect_dma source(%dma_start3A_194 : memref<10000x128xf32, #tpu.memory_space<hbm>>) target(%dma_start3A_190 : memref<96x128xf32, #tpu.memory_space<vmem>>) offsets(%dma_start3A_191 : memref<96xi32, #tpu.memory_space<vmem>>) semaphore(%arg12 : memref<!tpu.dma_semaphore, #tpu.memory_space<semaphore_mem>>)
      } else {
      }
    }
    %scan3A_112 = arith.constant 18 : i32
    %barrier3A_113 = arith.constant 0 : index
    tpu.barrier barrier_id(%barrier3A_113)
    %mul3A_114 = arith.constant 632 : i32
    %mul3A_115 = arith.muli %arg1, %mul3A_114 : i32
    %mul3A_116 = arith.constant 632 : i32
    %mul3A_117 = arith.muli %arg1, %mul3A_116 : i32
    "tpu.region"() ({
      %run_scoped3A_118 = tpu.sem_alloc : memref<!tpu.dma_semaphore, #tpu.memory_space<semaphore_mem>>
      %dma_start3A_119 = arith.constant 0 : i32
      %dma_start3A_120 = tpu.memref_slice %arg5[%arg0, %mul3A_117, %dma_start3A_119] : memref<2x10112x128xf32, #tpu.memory_space<hbm>> -> memref<1x632x128xf32, #tpu.memory_space<hbm>>
      %dma_start3A_121 = tpu.memref_squeeze %dma_start3A_120 : memref<1x632x128xf32, #tpu.memory_space<hbm>> -> memref<632x128xf32, #tpu.memory_space<hbm>>
      %dma_start3A_122 = arith.constant 0 : i32
      %dma_start3A_123 = tpu.memref_slice %arg6[%mul3A_115, %dma_start3A_122] : memref<10112x128xf32, #tpu.memory_space<vmem_shared>> -> memref<632x128xf32, #tpu.memory_space<vmem_shared>>
      tpu.enqueue_dma source(%dma_start3A_123 : memref<632x128xf32, #tpu.memory_space<vmem_shared>>) target(%dma_start3A_121 : memref<632x128xf32, #tpu.memory_space<hbm>>) target_semaphore(%run_scoped3A_118 : memref<!tpu.dma_semaphore, #tpu.memory_space<semaphore_mem>>)
      %dma_wait3A = arith.constant 0 : i32
      %dma_wait3A_124 = tpu.memref_slice %arg5[%arg0, %mul3A_117, %dma_wait3A] : memref<2x10112x128xf32, #tpu.memory_space<hbm>> -> memref<1x632x128xf32, #tpu.memory_space<hbm>>
      %dma_wait3A_125 = tpu.memref_squeeze %dma_wait3A_124 : memref<1x632x128xf32, #tpu.memory_space<hbm>> -> memref<632x128xf32, #tpu.memory_space<hbm>>
      %dma_wait3A_126 = arith.constant 0 : i32
      %dma_wait3A_127 = tpu.memref_slice %arg6[%mul3A_115, %dma_wait3A_126] : memref<10112x128xf32, #tpu.memory_space<vmem_shared>> -> memref<632x128xf32, #tpu.memory_space<vmem_shared>>
      tpu.wait_dma2 semaphore(%run_scoped3A_118 : memref<!tpu.dma_semaphore, #tpu.memory_space<semaphore_mem>>) src(%dma_wait3A_127 : memref<632x128xf32, #tpu.memory_space<vmem_shared>>) dst(%dma_wait3A_125 : memref<632x128xf32, #tpu.memory_space<hbm>>)
      tpu.yield
    }) : () -> ()
    return
  }
}

module attributes {stable_mosaic.version = 14 : i64} {
  func.func @_prescale_body(%arg0: i32, %arg1: memref<1000x128xf32, #tpu.memory_space<vmem>>, %arg2: memref<2x1000x1xf32, #tpu.memory_space<vmem>>, %arg3: memref<1000x128xf32, #tpu.memory_space<vmem>>) attributes {dimension_semantics = [#tpu.dimension_semantics<arbitrary>], iteration_bounds = array<i64: 10>, scalar_prefetch = 0 : i64, scratch_operands = 0 : i64, tpu.core_type = #tpu.core_type<tc>, window_params = [{transform_indices = @transform_0, window_bounds = array<i64: 1000, 128>}, {transform_indices = @transform_1, window_bounds = array<i64: 2, 1000, 1>}, {transform_indices = @transform_2, window_bounds = array<i64: 1000, 128>}]} {
    %get3A = arith.constant 0 : index
    %get3A_0 = arith.constant 0 : index
    %get3A_1 = arith.constant 0 : index
    %get3A_2 = vector.load %arg2[%get3A, %get3A_0, %get3A_1] : memref<2x1000x1xf32, #tpu.memory_space<vmem>>, vector<1x1000x1xf32>
    %get3A_3 = vector.shape_cast %get3A_2 : vector<1x1000x1xf32> to vector<1000x1xf32>
    %get3A_4 = arith.constant 1 : index
    %get3A_5 = arith.constant 0 : index
    %get3A_6 = arith.constant 0 : index
    %get3A_7 = vector.load %arg2[%get3A_4, %get3A_5, %get3A_6] : memref<2x1000x1xf32, #tpu.memory_space<vmem>>, vector<1x1000x1xf32>
    %get3A_8 = vector.shape_cast %get3A_7 : vector<1x1000x1xf32> to vector<1000x1xf32>
    %add3A = arith.addf %get3A_3, %get3A_8 : vector<1000x1xf32>
    %max3A = arith.constant 1.000000e+00 : f32
    %max3A_9 = vector.broadcast %max3A : f32 to vector<1000x1xf32>
    %max3A_10 = arith.maximumf %add3A, %max3A_9 : vector<1000x1xf32>
    %rsqrt3A = math.rsqrt %max3A_10 : vector<1000x1xf32>
    %get3A_11 = arith.constant 0 : index
    %get3A_12 = arith.constant 0 : index
    %get3A_13 = vector.load %arg1[%get3A_11, %get3A_12] : memref<1000x128xf32, #tpu.memory_space<vmem>>, vector<1000x128xf32>
    %mul3A = vector.broadcast %rsqrt3A : vector<1000x1xf32> to vector<1000x128xf32>
    %mul3A_14 = arith.mulf %get3A_13, %mul3A : vector<1000x128xf32>
    %swap3A = arith.constant 0 : index
    %swap3A_15 = arith.constant 0 : index
    %swap3A_16 = vector.load %arg3[%swap3A, %swap3A_15] : memref<1000x128xf32, #tpu.memory_space<vmem>>, vector<1000x128xf32>
    tpu.vector_store %arg3[%swap3A, %swap3A_15], %mul3A_14 {strides = array<i32>} : memref<1000x128xf32, #tpu.memory_space<vmem>>, vector<1000x128xf32>,
    return
  }
  func.func @transform_0(%arg0: i32) -> (i32, i32) {
    %c0_i32 = arith.constant 0 : i32
    %c0_i32_0 = arith.constant 0 : i32
    return %arg0, %c0_i32 : i32, i32
  }
  func.func @transform_1(%arg0: i32) -> (i32, i32, i32) {
    %c0_i32 = arith.constant 0 : i32
    %c0_i32_0 = arith.constant 0 : i32
    %c0_i32_1 = arith.constant 0 : i32
    return %c0_i32, %arg0, %c0_i32_0 : i32, i32, i32
  }
  func.func @transform_2(%arg0: i32) -> (i32, i32) {
    %c0_i32 = arith.constant 0 : i32
    %c0_i32_0 = arith.constant 0 : i32
    return %arg0, %c0_i32 : i32, i32
  }
}

module attributes {stable_mosaic.version = 14 : i64} {
  func.func @_dense_body(%arg0: i32, %arg1: memref<2x1000x128xf32, #tpu.memory_space<vmem>>, %arg2: memref<2x1000x1xf32, #tpu.memory_space<vmem>>, %arg3: memref<1000x128xf32, #tpu.memory_space<vmem>>, %arg4: memref<128x128xf32, #tpu.memory_space<vmem>>, %arg5: memref<128x128xf32, #tpu.memory_space<vmem>>, %arg6: memref<1x128xf32, #tpu.memory_space<vmem>>, %arg7: memref<128x128xf32, #tpu.memory_space<vmem>>, %arg8: memref<1000x128xf32, #tpu.memory_space<vmem>>) attributes {dimension_semantics = [#tpu.dimension_semantics<arbitrary>], iteration_bounds = array<i64: 10>, scalar_prefetch = 0 : i64, scratch_operands = 0 : i64, tpu.core_type = #tpu.core_type<tc>, window_params = [{transform_indices = @transform_0, window_bounds = array<i64: 2, 1000, 128>}, {transform_indices = @transform_1, window_bounds = array<i64: 2, 1000, 1>}, {transform_indices = @transform_2, window_bounds = array<i64: 1000, 128>}, {pipeline_mode = #tpu.pipeline_mode<synchronous>, transform_indices = @transform_3, window_bounds = array<i64: 128, 128>}, {pipeline_mode = #tpu.pipeline_mode<synchronous>, transform_indices = @transform_4, window_bounds = array<i64: 128, 128>}, {pipeline_mode = #tpu.pipeline_mode<synchronous>, transform_indices = @transform_5, window_bounds = array<i64: 1, 128>}, {pipeline_mode = #tpu.pipeline_mode<synchronous>, transform_indices = @transform_6, window_bounds = array<i64: 128, 128>}, {transform_indices = @transform_7, window_bounds = array<i64: 1000, 128>}]} {
    %get3A = arith.constant 0 : index
    %get3A_0 = arith.constant 0 : index
    %get3A_1 = arith.constant 0 : index
    %get3A_2 = vector.load %arg1[%get3A, %get3A_0, %get3A_1] : memref<2x1000x128xf32, #tpu.memory_space<vmem>>, vector<1x1000x128xf32>
    %get3A_3 = vector.shape_cast %get3A_2 : vector<1x1000x128xf32> to vector<1000x128xf32>
    %get3A_4 = arith.constant 1 : index
    %get3A_5 = arith.constant 0 : index
    %get3A_6 = arith.constant 0 : index
    %get3A_7 = vector.load %arg1[%get3A_4, %get3A_5, %get3A_6] : memref<2x1000x128xf32, #tpu.memory_space<vmem>>, vector<1x1000x128xf32>
    %get3A_8 = vector.shape_cast %get3A_7 : vector<1x1000x128xf32> to vector<1000x128xf32>
    %add3A = arith.addf %get3A_3, %get3A_8 : vector<1000x128xf32>
    %get3A_9 = arith.constant 0 : index
    %get3A_10 = arith.constant 0 : index
    %get3A_11 = arith.constant 0 : index
    %get3A_12 = vector.load %arg2[%get3A_9, %get3A_10, %get3A_11] : memref<2x1000x1xf32, #tpu.memory_space<vmem>>, vector<1x1000x1xf32>
    %get3A_13 = vector.shape_cast %get3A_12 : vector<1x1000x1xf32> to vector<1000x1xf32>
    %get3A_14 = arith.constant 1 : index
    %get3A_15 = arith.constant 0 : index
    %get3A_16 = arith.constant 0 : index
    %get3A_17 = vector.load %arg2[%get3A_14, %get3A_15, %get3A_16] : memref<2x1000x1xf32, #tpu.memory_space<vmem>>, vector<1x1000x1xf32>
    %get3A_18 = vector.shape_cast %get3A_17 : vector<1x1000x1xf32> to vector<1000x1xf32>
    %add3A_19 = arith.addf %get3A_13, %get3A_18 : vector<1000x1xf32>
    %max3A = arith.constant 1.000000e+00 : f32
    %max3A_20 = vector.broadcast %max3A : f32 to vector<1000x1xf32>
    %max3A_21 = arith.maximumf %add3A_19, %max3A_20 : vector<1000x1xf32>
    %rsqrt3A = math.rsqrt %max3A_21 : vector<1000x1xf32>
    %mul3A = vector.broadcast %rsqrt3A : vector<1000x1xf32> to vector<1000x128xf32>
    %mul3A_22 = arith.mulf %add3A, %mul3A : vector<1000x128xf32>
    %get3A_23 = arith.constant 0 : index
    %get3A_24 = arith.constant 0 : index
    %get3A_25 = vector.load %arg3[%get3A_23, %get3A_24] : memref<1000x128xf32, #tpu.memory_space<vmem>>, vector<1000x128xf32>
    %get3A_26 = arith.constant 0 : index
    %get3A_27 = arith.constant 0 : index
    %get3A_28 = vector.load %arg4[%get3A_26, %get3A_27] : memref<128x128xf32, #tpu.memory_space<vmem>>, vector<128x128xf32>
    %dot_general3A = arith.constant dense<0.000000e+00> : vector<1000x128xf32>
    %dot_general3A_29 = tpu.matmul %mul3A_22, %get3A_28, %dot_general3A {dimension_numbers = #tpu.dot_dimension_numbers<[1], [0], [0], [1], [0, 0, 1, 1], [], []>, transpose_lhs_hint = false} : vector<1000x128xf32>, vector<128x128xf32>, vector<1000x128xf32> -> vector<1000x128xf32>
    %get3A_30 = arith.constant 0 : index
    %get3A_31 = arith.constant 0 : index
    %get3A_32 = vector.load %arg5[%get3A_30, %get3A_31] : memref<128x128xf32, #tpu.memory_space<vmem>>, vector<128x128xf32>
    %dot_general3A_33 = arith.constant dense<0.000000e+00> : vector<1000x128xf32>
    %dot_general3A_34 = tpu.matmul %get3A_25, %get3A_32, %dot_general3A_33 {dimension_numbers = #tpu.dot_dimension_numbers<[1], [0], [0], [1], [0, 0, 1, 1], [], []>, transpose_lhs_hint = false} : vector<1000x128xf32>, vector<128x128xf32>, vector<1000x128xf32> -> vector<1000x128xf32>
    %add3A_35 = arith.addf %dot_general3A_29, %dot_general3A_34 : vector<1000x128xf32>
    %get3A_36 = arith.constant 0 : index
    %get3A_37 = arith.constant 0 : index
    %get3A_38 = vector.load %arg6[%get3A_36, %get3A_37] : memref<1x128xf32, #tpu.memory_space<vmem>>, vector<1x128xf32>
    %add3A_39 = vector.broadcast %get3A_38 : vector<1x128xf32> to vector<1000x128xf32>
    %add3A_40 = arith.addf %add3A_35, %add3A_39 : vector<1000x128xf32>
    %logistic3A = arith.negf %add3A_40 : vector<1000x128xf32>
    %logistic3A_41 = math.exp %logistic3A : vector<1000x128xf32>
    %logistic3A_42 = arith.constant 1.000000e+00 : f32
    %logistic3A_43 = vector.broadcast %logistic3A_42 : f32 to vector<1000x128xf32>
    %logistic3A_44 = arith.addf %logistic3A_43, %logistic3A_41 : vector<1000x128xf32>
    %logistic3A_45 = arith.divf %logistic3A_43, %logistic3A_44 : vector<1000x128xf32>
    %mul3A_46 = arith.mulf %mul3A_22, %logistic3A_45 : vector<1000x128xf32>
    %sub3A = arith.constant 1.000000e+00 : f32
    %sub3A_47 = vector.broadcast %sub3A : f32 to vector<1000x128xf32>
    %sub3A_48 = arith.subf %sub3A_47, %logistic3A_45 : vector<1000x128xf32>
    %mul3A_49 = arith.mulf %get3A_25, %sub3A_48 : vector<1000x128xf32>
    %add3A_50 = arith.addf %mul3A_46, %mul3A_49 : vector<1000x128xf32>
    %mul3A_51 = arith.constant 0.899999976 : f32
    %mul3A_52 = vector.broadcast %mul3A_51 : f32 to vector<1000x128xf32>
    %mul3A_53 = arith.mulf %mul3A_52, %add3A_50 : vector<1000x128xf32>
    %get3A_54 = arith.constant 0 : index
    %get3A_55 = arith.constant 0 : index
    %get3A_56 = vector.load %arg7[%get3A_54, %get3A_55] : memref<128x128xf32, #tpu.memory_space<vmem>>, vector<128x128xf32>
    %dot_general3A_57 = arith.constant dense<0.000000e+00> : vector<1000x128xf32>
    %dot_general3A_58 = tpu.matmul %add3A_50, %get3A_56, %dot_general3A_57 {dimension_numbers = #tpu.dot_dimension_numbers<[1], [0], [0], [1], [0, 0, 1, 1], [], []>, transpose_lhs_hint = false} : vector<1000x128xf32>, vector<128x128xf32>, vector<1000x128xf32> -> vector<1000x128xf32>
    %mul3A_59 = arith.constant 1.000000e-01 : f32
    %mul3A_60 = vector.broadcast %mul3A_59 : f32 to vector<1000x128xf32>
    %mul3A_61 = arith.mulf %mul3A_60, %dot_general3A_58 : vector<1000x128xf32>
    %add3A_62 = arith.addf %mul3A_53, %mul3A_61 : vector<1000x128xf32>
    %swap3A = arith.constant 0 : index
    %swap3A_63 = arith.constant 0 : index
    %swap3A_64 = vector.load %arg8[%swap3A, %swap3A_63] : memref<1000x128xf32, #tpu.memory_space<vmem>>, vector<1000x128xf32>
    tpu.vector_store %arg8[%swap3A, %swap3A_63], %add3A_62 {strides = array<i32>} : memref<1000x128xf32, #tpu.memory_space<vmem>>, vector<1000x128xf32>,
    return
  }
  func.func @transform_0(%arg0: i32) -> (i32, i32, i32) {
    %c0_i32 = arith.constant 0 : i32
    %c0_i32_0 = arith.constant 0 : i32
    %c0_i32_1 = arith.constant 0 : i32
    return %c0_i32, %arg0, %c0_i32_0 : i32, i32, i32
  }
  func.func @transform_1(%arg0: i32) -> (i32, i32, i32) {
    %c0_i32 = arith.constant 0 : i32
    %c0_i32_0 = arith.constant 0 : i32
    %c0_i32_1 = arith.constant 0 : i32
    return %c0_i32, %arg0, %c0_i32_0 : i32, i32, i32
  }
  func.func @transform_2(%arg0: i32) -> (i32, i32) {
    %c0_i32 = arith.constant 0 : i32
    %c0_i32_0 = arith.constant 0 : i32
    return %arg0, %c0_i32 : i32, i32
  }
  func.func @transform_3(%arg0: i32) -> (i32, i32) {
    %c0_i32 = arith.constant 0 : i32
    %c0_i32_0 = arith.constant 0 : i32
    %c0_i32_1 = arith.constant 0 : i32
    return %c0_i32, %c0_i32_0 : i32, i32
  }
  func.func @transform_4(%arg0: i32) -> (i32, i32) {
    %c0_i32 = arith.constant 0 : i32
    %c0_i32_0 = arith.constant 0 : i32
    %c0_i32_1 = arith.constant 0 : i32
    return %c0_i32, %c0_i32_0 : i32, i32
  }
  func.func @transform_5(%arg0: i32) -> (i32, i32) {
    %c0_i32 = arith.constant 0 : i32
    %c0_i32_0 = arith.constant 0 : i32
    %c0_i32_1 = arith.constant 0 : i32
    return %c0_i32, %c0_i32_0 : i32, i32
  }
  func.func @transform_6(%arg0: i32) -> (i32, i32) {
    %c0_i32 = arith.constant 0 : i32
    %c0_i32_0 = arith.constant 0 : i32
    %c0_i32_1 = arith.constant 0 : i32
    return %c0_i32, %c0_i32_0 : i32, i32
  }
  func.func @transform_7(%arg0: i32) -> (i32, i32) {
    %c0_i32 = arith.constant 0 : i32
    %c0_i32_0 = arith.constant 0 : i32
    return %arg0, %c0_i32 : i32, i32
  }
}

</mosaic_0001>

<sc_bundles>
// kernel: kernel.6.cloned.1.call-start
scs
__scs_entry_jumppad:
0x0: {  	(pc) =	sbr.rel $0x88, $3  }
0x1: {  	(tag) =	ssettag $0x0;
	lr =	simm.s32 $0x1  }
0x2: {  	[smem:$0x3F9A] =	sst lr;
	_ =	strace $0xD0000000  }
0x3: {  	_ = 	snop  }
0x4: {  	_ = 	snop  }
0x5: {  	_ = 	snop  }
0x6: {  	_ = 	snop  }
0x7: {  	_ = 	snop  }
__scs_overlays_trampoline_lowered:
0x8: {  	[smem:$0x3FA9] =	sst s0  }
0x9: {  	[smem:$0x3FAA] =	sst s1  }
0xa: {  	[smem:$0x3FAB] =	sst s2  }
0xb: {  	[smem:$0x3FAC] =	sst s3  }
0xc: {  	[smem:$0x3FAD] =	sst s4  }
0xd: {  	[smem:$0x3FAE] =	sst s5  }
0xe: {  	[smem:$0x3FAF] =	sst s6  }
0xf: {  	[smem:$0x3FB0] =	sst s7  }
0x10: {  	[smem:$0x3FB1] =	sst s8  }
0x11: {  	[smem:$0x3FB2] =	sst s9;
	s0 =	simm.s32 @!p0 $0x0  }
0x12: {  	s1 =	sld [smem:$0x3F98];
	s0 =	simm.s32 @p0 $0x1  }
0x13: {  	[smem:$0x3FB3] =	sst s0;
	s0 =	simm.s32 @!p1 $0x0  }
0x14: {  	s2 =	sld [smem:$0x3F97];
	s0 =	simm.s32 @p1 $0x1  }
0x15: {  	[smem:$0x3FB4] =	sst s0;
	s0 =	simm.s32 @!p2 $0x0  }
0x16: {  	s3 =	sld [smem:$0x3FDB];
	s0 =	simm.s32 @p2 $0x1  }
0x17: {  	s4 =	simm.s32 $0x1BF5;
	[smem:$0x3FB6] =	sst s0  }
0x18: {  	s0 =	sld [smem:$0x3F99];
	_ =	swait.ge [sflag:s4], $0x0  }
0x19: {  	s7 =	sld [smem:$0x3F9A]  }
0x1a: {  	s8 =	sadd.s32 $0xFFFFE003, lr  }
0x1b: {  	s9 =	sadd.s32 $0xFFFFFEF7, lr;
	s5 =	simm.s32 $0xFFFFFFFF;
	p2 =	slt.u32 s8, $0xFFFFF086  }
0x1c: {  	p1 =	slt.u32 s9, $0xF7A;
	s5 =	simm.s32 @!p2 $0x0  }
0x1d: {  	s5 =	simm.s32 @p1 $0x1;
	p0 =	seq.s32 s7, s2  }
0x1e: {  	s7 =	smul.u32 @!p0 $0xF7A, s2;
	p2 =	seq.s32 @!p0 s5, $0x0  }
0x1f: {  	s9 =	smul.u32 $0xF7A, s1;
	s8 =	simm.s32 @!p0 $0x1BF5;
	p2 =	por !p2, p0  }
0x20: {  	[sflag:s8] =	ssyncset.s32 @!p0 $0xFFFFF086;
	s6 =	sadd.s32 @!p0 s3, s7;
	s7 =	simm.s32 @!p0 $0x108  }
0x21: {  	s3 =	sadd.s32 s3, s9;
	s6 =	sadd.s32 @!p0 $0x88, s6;
	s7 =	simm.s32 @p2 $0x1082  }
0x22: {  	[simem:s7], [sflag:s8] =	dma.local @!p0 [hbm:s6], $0xF7A  }
0x23: {  	s9 =	sor.u32 $0xD0000000, s2;
	s6 =	simm.s32 $0x108;
	_ =	swait.ge @!p0 [sflag:s8], $0x0  }
0x24: {  	s3 =	sadd.s32 $0x88, s3;
	s6 =	simm.s32 @!p1 $0x1082;
	[sflag:s4] =	ssyncset.s32 $0xFFFFF086  }
0x25: {  	[simem:s6], [sflag:s4] =	dma.local [hbm:s3], $0xF7A  }
0x26: {  	[smem:$0x3F9A] =	sst s1;
	(tag) =	ssettag s2;
	_ =	strace s9  }
0x27: {  	s1 =	sld [smem:$0x3FAA]  }
0x28: {  	s2 =	sld [smem:$0x3FAB]  }
0x29: {  	s4 =	sld [smem:$0x3FAD]  }
0x2a: {  	p0 =	seq.s32 s5, $0x0;
	s5 =	sld [smem:$0x3FAE]  }
0x2b: {  	s6 =	sld [smem:$0x3FAF]  }
0x2c: {  	s7 =	sld [smem:$0x3FB0]  }
0x2d: {  	s3 =	simm.s32 $0x108;
	s8 =	sld [smem:$0x3FB1]  }
0x2e: {  	s3 =	simm.s32 @!p0 $0x1082;
	s9 =	sld [smem:$0x3FB2]  }
0x2f: {  	lr =	sadd.s32 s0, s3;
	s0 =	sld [smem:$0x3FA9]  }
0x30: {  	s3 =	sld [smem:$0x3FAC]  }
0x31: {  	[smem:$0x3FB5] =	sst s10  }
0x32: {  	s10 =	sld [smem:$0x3FB3];
	_ =	sdelay $0x3  }
0x33: {  	p0 =	seq.s32 s10, $0x1;
	s10 =	sld [smem:$0x3FB5];
	_ =	sdelay $0x3  }
0x34: {  	[smem:$0x3FB5] =	sst s10  }
0x35: {  	s10 =	sld [smem:$0x3FB4];
	_ =	sdelay $0x3  }
0x36: {  	p1 =	seq.s32 s10, $0x1;
	s10 =	sld [smem:$0x3FB5];
	_ =	sdelay $0x3  }
0x37: {  	[smem:$0x3FB5] =	sst s10  }
0x38: {  	s10 =	sld [smem:$0x3FB6]  }
0x39: {  	_ = 	snop;
	(pc) =	sbr.ind lr, $3  }
0x3a: {  	_ = 	snop  }
0x3b: {  	_ = 	snop  }
0x3c: {  	p2 =	seq.s32 s10, $0x1;
	s10 =	sld [smem:$0x3FB5]  }
0x3d: {  	_ =	shalt  }
0x3e: {  	_ =	shalt  }
0x3f: {  	_ =	shalt  }
0x40: {  	_ =	shalt  }
0x41: {  	_ =	shalt  }
0x42: {  	_ =	shalt  }
0x43: {  	_ =	shalt  }
0x44: {  	_ =	shalt  }
0x45: {  	_ =	shalt  }
0x46: {  	_ =	shalt  }
0x47: {  	_ =	shalt  }
0x48: {  	_ =	shalt  }
0x49: {  	_ =	shalt  }
0x4a: {  	_ =	shalt  }
0x4b: {  	_ =	shalt  }
0x4c: {  	_ =	shalt  }
0x4d: {  	_ =	shalt  }
0x4e: {  	_ =	shalt  }
0x4f: {  	_ =	shalt  }
0x50: {  	_ =	shalt  }
0x51: {  	_ =	shalt  }
0x52: {  	_ =	shalt  }
0x53: {  	_ =	shalt  }
0x54: {  	_ =	shalt  }
0x55: {  	_ =	shalt  }
0x56: {  	_ =	shalt  }
0x57: {  	_ =	shalt  }
0x58: {  	_ =	shalt  }
0x59: {  	_ =	shalt  }
0x5a: {  	_ =	shalt  }
0x5b: {  	_ =	shalt  }
0x5c: {  	_ =	shalt  }
0x5d: {  	_ =	shalt  }
0x5e: {  	_ =	shalt  }
0x5f: {  	_ =	shalt  }
0x60: {  	_ =	shalt  }
0x61: {  	_ =	shalt  }
0x62: {  	_ =	shalt  }
0x63: {  	_ =	shalt  }
0x64: {  	_ =	shalt  }
0x65: {  	_ =	shalt  }
0x66: {  	_ =	shalt  }
0x67: {  	_ =	shalt  }
0x68: {  	_ =	shalt  }
0x69: {  	_ =	shalt  }
0x6a: {  	_ =	shalt  }
0x6b: {  	_ =	shalt  }
0x6c: {  	_ =	shalt  }
0x6d: {  	_ =	shalt  }
0x6e: {  	_ =	shalt  }
0x6f: {  	_ =	shalt  }
0x70: {  	_ =	shalt  }
0x71: {  	_ =	shalt  }
0x72: {  	_ =	shalt  }
0x73: {  	_ =	shalt  }
0x74: {  	_ =	shalt  }
0x75: {  	_ =	shalt  }
0x76: {  	_ =	shalt  }
0x77: {  	_ =	shalt  }
0x78: {  	_ =	shalt  }
0x79: {  	_ =	shalt  }
0x7a: {  	_ =	shalt  }
0x7b: {  	_ =	shalt  }
0x7c: {  	_ =	shalt  }
0x7d: {  	_ =	shalt  }
0x7e: {  	_ =	shalt  }
0x7f: {  	_ =	shalt  }
0x80: {  	_ =	shalt  }
0x81: {  	_ =	shalt  }
0x82: {  	_ =	shalt  }
0x83: {  	_ =	shalt  }
0x84: {  	_ =	shalt  }
0x85: {  	_ =	shalt  }
0x86: {  	_ =	shalt  }
0x87: {  	_ =	shalt  }
.Lfunc_end0:
.L_simem_size_0:
called_computation_lowered:
.L_overlay_start_0:
0x88: {  	s2 =	sld [smem:$0x3FD9]  }
0x89: {  	s3 =	sld [smem:$0x3FFE];
	_ =	sdelay $0x1  }
0x8a: {  	s1 =	srdreg.scid  }
0x8b: {  	s0 =	sand.u32 $0x1, s1  }
0x8c: {  	s17 =	sshll.u32 s0, $0xA;
	s2 =	sadd.s32 s3, s2  }
0x8d: {  	s2 =	sadd.s32 s2, s17  }
0x8e: {  	[smem:$0x3FC1] =	sst s2  }
0x8f: {  	_ = 	snop  }
0x90: {  	s2 =	sld [smem:$0x3FD0];
	(tm) =	ssettm $0x1  }
0x91: {  	s18 =	sld [smem:$0x3FFB];
	_ =	sdelay $0x3  }
0x92: {  	_ =	strace s18  }
0x93: {  	s3 =	sld [smem:$0x3FFC];
	_ =	sdelay $0x3  }
0x94: {  	_ =	strace s3  }
0x95: {  	s3 =	sld [smem:$0x3FFD];
	_ =	sdelay $0x3  }
0x96: {  	_ =	strace s3  }
0x97: {  	_ =	strace $0x8FFFFFFF  }
0x98: {  	s19 =	sld [smem:$0x3FDB];
	_ =	sdelay $0x1  }
0x99: {  	s4 =	simm.s32 $_scs_section_size  }
0x9a: {  	s5 =	simm.s32 $_size__tile_overlayer_lowered;
	s6 =	simm.s32 $_tile_overlayer_lowered  }
0x9b: {  	s22 =	simm.s32 $0x1BFF;
	s21 =	sshll.u32 s6, $0x1;
	s3 =	sadd.s32 s4, s19  }
0x9c: {  	s7 =	simm.s32 $0x0;
	s20 =	sshll.u32 s5, $0x1;
	s5 =	sadd.s32 s21, s3  }
0x9d: {  	[timem:s7], [sflag:s22] =	dma.local [hbm:s5], s20  }
0x9e: {  	_ =	swait.ge [sflag:s22], s20  }
0x9f: {  	s4 =	ssub.s32 $0x0, s20;
	[sflag:s22] =	ssyncset.done $0x0  }
0xa0: {  	[sflag:s22] =	ssyncadd.s32 s4;
	_ =	sdelay $0x1  }
0xa1: {  	s23 =	simm.s32 $0x1B8B  }
0xa2: {  	_ =	swait.ge [sflag:s23], $0x1  }
0xa3: {  	[sflag:s23] =	ssyncset.done $0x0  }
0xa4: {  	s25 =	simm.s32 $0x1B8E;
	s24 =	sld [smem:$0x3FFE];
	[sflag:s23] =	ssyncadd.s32 $0xFFFFFFFF  }
0xa5: {  	s26 =	simm.s32 $execute0_lowered;
	[smem:$0x3FD2] =	sst s25  }
0xa6: {  	s5 =	sshll.u32 s26, $0x1;
	_ =	strace $0x80000046;
	[dreg:$0x1] =	wrdreg $0xFFFFFFFF  }
0xa7: {  	s28 =	simm.s32 $_size_execute0_lowered;
	s3 =	sadd.s32 s3, s5;
	[dreg:$0x0] =	wrdreg $0x0  }
0xa8: {  	s5 =	sshll.u32 s28, $0x1;
	[dreg:$0x2] =	wrdreg s3  }
0xa9: {  	[dreg:$0x3] =	wrdreg s5  }
0xaa: {  	[dreg:$0x4] =	wrdreg $0xC0  }
0xab: {  	_ =	task [dreg:s7], $0x5FFFF  }
0xac: {  	[dreg:$0x1] =	wrdreg $0xFFFFFFFF  }
0xad: {  	[dreg:$0x0] =	wrdreg $0x60  }
0xae: {  	[dreg:$0x2] =	wrdreg s24  }
0xaf: {  	[dreg:$0x3] =	wrdreg s2  }
0xb0: {  	[dreg:$0x4] =	wrdreg $0x0  }
0xb1: {  	[dreg:$0x5] =	wrdreg $0x9  }
0xb2: {  	_ =	task.clear_ibuf [dreg:s7], $0x6FFFF;
	_ =	strace $0x90000046  }
0xb3: {  	s29 =	simm.s32 $0x9;
	_ =	strace $0x80000048  }
0xb4: {  	_ =	swait.ge [sflag:s29], $0x1  }
0xb5: {  	[sflag:s29] =	ssyncadd.s32 $0xFFFFFFFF  }
0xb6: {  	_ =	strace $0x90000048  }
0xb7: {  	_ =	sfence  }
0xb8: {  	s30 =	sld [smem:$0x0];
	_ =	sdelay $0x2  }
0xb9: {  	s31 =	sshll.u32 s1, $0xD;
	s1 =	sshrl.u32 s1, $0x2  }
0xba: {  	s3 =	sand.u32 $0x4000, s31;
	s1 =	sadd.s32 s1, s30  }
0xbb: {  	s0 =	sor.u32 s3, s0;
	s1 =	sshll.u32 s1, $0x11  }
0xbc: {  	s0 =	sor.u32 s1, s0  }
0xbd: {  	s0 =	sadd.s32 $0x8F2B, s0  }
0xbe: {  	[sflag:s0] =	ssyncadd.remote.s32 $0x1  }
0xbf: {  	_ =	sfence.sel $0xFFFF  }
0xc0: {  	[dreg:$0x0] =	wrdreg $0xFFFFFFFF;
	(pc) =	sbr.abs _section_cstart, $3  }
0xc1: {  	[dreg:$0x1] =	wrdreg $0xFFFFFFFF  }
0xc2: {  	_ =	task.clear_ibuf [dreg:s7], $0x2FFFF;
	_ =	strace $0x9FFFFFFF  }
0xc3: {  	(tm) =	ssettm $0x7FFFFFFF  }
tec
execute0_lowered:
.L_overlay_start_1:
0x0: {  	(tag) =	ssettag $0x1  }
0x1: {  	s4 =	rddreg [dreg:$0x0]  }
0x2: {  	s6 =	rddreg [dreg:$0x1]  }
0x3: {  	s2 =	rddreg [dreg:$0x2]  }
0x4: {  	s0 =	rddreg [dreg:$0x3]  }
0x5: {  	s3 =	srdreg.scid;
	s1 =	stileid.u32  }
0x6: {  	s12 =	simm.s32 $0x1E78;
	s13 =	simm.s32 $0x60;
	s14 =	simm.s32 $0x3A78  }
0x7: {  	s5 =	sand.u32 $0x1, s3;
	s7 =	sshll.u32 s1, $0x1;
	s8 =	smul.u32 $0x278, s1  }
0x8: {  	s3 =	simm.s32 $0x0;
	s7 =	sor.u32 s5, s7;
	s9 =	smul.u32 $0x2780, s5  }
0x9: {  	[smem:$0x7FF] =	sst s3;
	s5 =	ssub.s32 $0x2, s5;
	s7 =	smul.u32 $0x700, s7  }
0xa: {  	s15 =	simm.s32 $0x0;
	_ =	strace $0x80000047;
	s10 =	sshrl.u32 s5, $0x1  }
0xb: {  	s9 =	sadd.s32 s8, s9;
	s10 =	ssub.s32 s5, s10;
	s7 =	sadd.s32 s7, s4  }
0xc: {  	s9 =	sshrl.u32 s9, $0x3;
	s4 =	sadd.s32 s8, s2;
	s8 =	simm.s32 $0x3AF8  }
0xd: {  	s5 =	sadd.s32 $0xC200, s7;
	s6 =	sadd.s32 s6, s9;
	s7 =	smax.u32 s10, $0x1  }
0xe: {  	v0 =	vimm.f32 $1.000000000e+00;
	v1 =	vimm.f32 $0.0e+00;
	s9 =	simm.s32 $0x1;
	s10 =	simm.s32 $0x278;
	s11 =	sadd.s32 $0x380, s5  }
.LBB2_1:
0xf: {  	[tilespmem:$0x3A78] =	vst v0  }
0x10: {  	[tilespmem:$0x3A88] =	vst v0  }
0x11: {  	[tilespmem:$0x3A98] =	vst v0  }
0x12: {  	[tilespmem:$0x3AA8] =	vst v0  }
0x13: {  	[tilespmem:$0x3AB8] =	vst v0  }
0x14: {  	[tilespmem:$0x3AC8] =	vst v0  }
0x15: {  	[tilespmem:$0x3AF8] =	vst v1  }
0x16: {  	[tilespmem:$0x3B08] =	vst v1  }
0x17: {  	[tilespmem:$0x3B18] =	vst v1  }
0x18: {  	[tilespmem:$0x3B28] =	vst v1  }
0x19: {  	[tilespmem:$0x3B38] =	vst v1  }
0x1a: {  	[tilespmem:$0x3B48] =	vst v1  }
0x1b: {  	[tilespmem:$0x3B58] =	vst v1  }
0x1c: {  	[tilespmem:$0x3B68] =	vst v1  }
0x1d: {  	[tilespmem:$0x3B78] =	vst v1  }
0x1e: {  	[tilespmem:$0x3B88] =	vst v1  }
0x1f: {  	[tilespmem:$0x3B98] =	vst v1  }
0x20: {  	[tilespmem:$0x3BA8] =	vst v1  }
0x21: {  	[tilespmem:$0x3BB8] =	vst v1  }
0x22: {  	[tilespmem:$0x3BC8] =	vst v1  }
0x23: {  	[tilespmem:$0x3BD8] =	vst v1  }
0x24: {  	[tilespmem:$0x3BE8] =	vst v1  }
0x25: {  	[tilespmem:$0x3BF8] =	vst v1  }
0x26: {  	[tilespmem:$0x3C08] =	vst v1  }
0x27: {  	[tilespmem:$0x3C18] =	vst v1  }
0x28: {  	[tilespmem:$0x3C28] =	vst v1  }
0x29: {  	[tilespmem:$0x3C38] =	vst v1  }
0x2a: {  	[tilespmem:$0x3C48] =	vst v1  }
0x2b: {  	[tilespmem:$0x3C58] =	vst v1  }
0x2c: {  	[tilespmem:$0x3C68] =	vst v1  }
0x2d: {  	[tilespmem:$0x3C78] =	vst v1  }
0x2e: {  	[tilespmem:$0x3C88] =	vst v1  }
0x2f: {  	[tilespmem:$0x3C98] =	vst v1  }
0x30: {  	[tilespmem:$0x3CA8] =	vst v1  }
0x31: {  	[tilespmem:$0x3CB8] =	vst v1  }
0x32: {  	[tilespmem:$0x3CC8] =	vst v1  }
0x33: {  	[tilespmem:$0x3CD8] =	vst v1  }
0x34: {  	[tilespmem:$0x3CE8] =	vst v1  }
0x35: {  	[tilespmem:$0x3CF8] =	vst v1  }
0x36: {  	[tilespmem:$0x3D08] =	vst v1  }
0x37: {  	[tilespmem:$0x3D18] =	vst v1  }
0x38: {  	[tilespmem:$0x3D28] =	vst v1  }
0x39: {  	[tilespmem:$0x3D38] =	vst v1  }
0x3a: {  	[tilespmem:$0x3D48] =	vst v1  }
0x3b: {  	[tilespmem:$0x3D58] =	vst v1  }
0x3c: {  	[tilespmem:$0x3D68] =	vst v1  }
0x3d: {  	[spmem:s4] =	stream.linear.scatter [tilespmem:s8], [sflag:$0x1], $0x278, $0x38;
	[tilespmem:$0x3D78] =	vst v63  }
0x3e: {  	_ =	swait.ge [sflag:s9], $0x278  }
0x3f: {  	[sflag:s9] =	ssyncset.done $0x0  }
0x40: {  	[sflag:s9] =	ssyncadd.s32 $0xFFFFFD88  }
0x41: {  	[tilespmem:s10], [sflag:$0x1] =	stream.linear.gather [hbm4b:s5+s3], $0x1B00, $0x38;
	[tilespmem:$0x3D78] =	vst v63  }
0x42: {  	_ = 	snop  }
0x43: {  	[tilespmem:s12], [sflag:$0x1] =	stream.linear.gather [hbm4b:s11+s3], $0x1B00, $0x38;
	[tilespmem:$0x3D78] =	vst v63  }
0x44: {  	_ =	swait.ge [sflag:s9], $0x3600  }
0x45: {  	[sflag:s9] =	ssyncset.done $0x0  }
0x46: {  	[sflag:s9] =	ssyncadd.s32 $0xFFFFCA00  }
0x47: {  	s16 =	simm.s32 $0x278;
	[bflag:$0x0] =	sbarrier.arrive $0xFFFF  }
0x48: {  	[spmem:s2] =	stream.indirect.scatter.add.f32 [tilespmem:s14], [sflag:$0x1], $0x1, s16, s13, $0xb8;
	[tilespmem:$0x3D78] =	vst v63  }
0x49: {  	s16 =	simm.s32 $0x200;
	_ =	swait.ge [sflag:s9], $0x60  }
.LBB2_2:
0x4a: {  	s17 =	sshra.s32 s16, $0x2;
	[sflag:s9] =	ssyncset.done $0x0;
	p0 =	sne.s32 s16, $0x6A00  }
.Ltmp0:
0x4b: {  	s17 =	sadd.s32 $0x278, s17;
	[sflag:s9] =	ssyncadd.s32 $0xFFFFFFA0;
	(pc) =	sbr.rel @p0 .LBB2_2-.Ltmp0, $3  }
0x4c: {  	[spmem:s2] =	stream.indirect.scatter.add.f32 [tilespmem:s14], [sflag:$0x1], $0x1, s17, s13, $0xb8;
	[tilespmem:$0x3D78] =	vst v63  }
0x4d: {  	s16 =	sadd.s32 $0x200, s16;
	_ =	sdelay $0x1  }
0x4e: {  	_ =	swait.ge [sflag:s9], $0x60  }
0x4f: {  	[sflag:s9] =	ssyncset.done $0x0  }
0x50: {  	s16 =	simm.s32 $0x1E78;
	[sflag:s9] =	ssyncadd.s32 $0xFFFFFFA0  }
0x51: {  	[spmem:s2] =	stream.indirect.scatter.add.f32 [tilespmem:s14], [sflag:$0x1], $0x1, s16, s13, $0xb8;
	[tilespmem:$0x3D78] =	vst v63  }
0x52: {  	s16 =	simm.s32 $0x200;
	_ =	swait.ge [sflag:s9], $0x60  }
.LBB2_4:
0x53: {  	s17 =	sshra.s32 s16, $0x2;
	[sflag:s9] =	ssyncset.done $0x0;
	p0 =	sne.s32 s16, $0x6A00  }
.Ltmp1:
0x54: {  	s17 =	sadd.s32 $0x1E78, s17;
	[sflag:s9] =	ssyncadd.s32 $0xFFFFFFA0;
	(pc) =	sbr.rel @p0 .LBB2_4-.Ltmp1, $3  }
0x55: {  	[spmem:s2] =	stream.indirect.scatter.add.f32 [tilespmem:s14], [sflag:$0x1], $0x1, s17, s13, $0xb8;
	[tilespmem:$0x3D78] =	vst v63  }
0x56: {  	s16 =	sadd.s32 $0x200, s16;
	_ =	sdelay $0x1  }
0x57: {  	_ =	swait.ge [sflag:s9], $0x60  }
0x58: {  	[sflag:s9] =	ssyncset.done $0x0  }
0x59: {  	[sflag:s9] =	ssyncadd.s32 $0xFFFFFFA0  }
0x5a: {  	[bflag:$0x0] =	sbarrier.arrive $0xFFFF  }
0x5b: {  	[tilespmem:s8], [sflag:$0x1] =	stream.linear.gather [spmem:s4], $0x278, $0x38;
	[tilespmem:$0x3D78] =	vst v63  }
0x5c: {  	s15 =	sadd.s32 $0x1, s15;
	_ =	swait.ge [sflag:s9], $0x278  }
0x5d: {  	p0 =	sne.s32 s15, s7;
	[sflag:s9] =	ssyncset.done $0x0  }
.Ltmp2:
0x5e: {  	[sflag:s9] =	ssyncadd.s32 $0xFFFFFD88;
	(pc) =	sbr.rel @p0 .LBB2_1-.Ltmp2, $4  }
0x5f: {  	[hbm4b:s6+s3] =	stream.linear.scatter [tilespmem:s8], [sflag:$0x1], $0x278, $0x38;
	[tilespmem:$0x3D78] =	vst v63  }
0x60: {  	_ =	swait.ge [sflag:s9], $0x278  }
0x61: {  	[sflag:s9] =	ssyncset.done $0x0  }
0x62: {  	[sflag:s9] =	ssyncadd.s32 $0xFFFFFD88  }
0x63: {  	_ =	sfence.sel $0x180000  }
0x64: {  	[bflag:$0x0] =	sbarrier.arrive $0xFFFF  }
0x65: {  	p0 =	sne.s32 s1, $0x0;
	_ =	strace $0x90000047  }
0x66: {  	s0 =	sadd.s32 @!p0 $0x100000, s0;
	[bflag:$0x2] =	sbarrier.arrive $0xFFFF  }
0x67: {  	[sflag:s0] =	ssyncadd.tile.s32 @!p0 $0x1;
	_ =	shalt  }
.Lfunc_end2:
_tile_overlayer_lowered:
.L_overlay_start_2:
0x68: {  	(tag) =	ssettag $0x2  }
0x69: {  	s0 =	rddreg [dreg:$0x0];
	s2 =	stileid.u32  }
0x6a: {  	s1 =	rddreg [dreg:$0x1];
	p0 =	sne.s32 s2, $0x0  }
0x6b: {  	s3 =	rddreg [dreg:$0x2];
	[bflag:$0x3] =	sbarrier.arrive $0xFFFF;
	s2 =	simm.s32 @!p0 $0x1C01  }
0x6c: {  	[timem:s3], [sflag:s2] =	dma.local @!p0 [hbm:s0], s1  }
0x6d: {  	s0 =	simm.s32 @!p0 $0x1  }
0x6e: {  	_ =	swait.ge @!p0 [sflag:s0], s1  }
0x6f: {  	s1 =	ssub.s32 @!p0 $0x0, s1;
	[sflag:s0] =	ssyncset.done @!p0 $0x0  }
0x70: {  	[sflag:s0] =	ssyncadd.s32 @!p0 s1  }
0x71: {  	[bflag:$0x3] =	sbarrier.arrive $0xFFFF  }
0x72: {  	_ =	shalt  }

// kernel: kernel.9.cloned.1.call-start
scs
__scs_entry_jumppad:
0x0: {  	(pc) =	sbr.rel $0x88, $3  }
0x1: {  	(tag) =	ssettag $0x0;
	lr =	simm.s32 $0x1  }
0x2: {  	[smem:$0x3F9A] =	sst lr;
	_ =	strace $0xD0000000  }
0x3: {  	_ = 	snop  }
0x4: {  	_ = 	snop  }
0x5: {  	_ = 	snop  }
0x6: {  	_ = 	snop  }
0x7: {  	_ = 	snop  }
__scs_overlays_trampoline_lowered:
0x8: {  	[smem:$0x3FA9] =	sst s0  }
0x9: {  	[smem:$0x3FAA] =	sst s1  }
0xa: {  	[smem:$0x3FAB] =	sst s2  }
0xb: {  	[smem:$0x3FAC] =	sst s3  }
0xc: {  	[smem:$0x3FAD] =	sst s4  }
0xd: {  	[smem:$0x3FAE] =	sst s5  }
0xe: {  	[smem:$0x3FAF] =	sst s6  }
0xf: {  	[smem:$0x3FB0] =	sst s7  }
0x10: {  	[smem:$0x3FB1] =	sst s8  }
0x11: {  	[smem:$0x3FB2] =	sst s9;
	s0 =	simm.s32 @!p0 $0x0  }
0x12: {  	s1 =	sld [smem:$0x3F98];
	s0 =	simm.s32 @p0 $0x1  }
0x13: {  	[smem:$0x3FB3] =	sst s0;
	s0 =	simm.s32 @!p1 $0x0  }
0x14: {  	s2 =	sld [smem:$0x3F97];
	s0 =	simm.s32 @p1 $0x1  }
0x15: {  	[smem:$0x3FB4] =	sst s0;
	s0 =	simm.s32 @!p2 $0x0  }
0x16: {  	s3 =	sld [smem:$0x3FDB];
	s0 =	simm.s32 @p2 $0x1  }
0x17: {  	s4 =	simm.s32 $0x1BF5;
	[smem:$0x3FB6] =	sst s0  }
0x18: {  	s0 =	sld [smem:$0x3F99];
	_ =	swait.ge [sflag:s4], $0x0  }
0x19: {  	s7 =	sld [smem:$0x3F9A]  }
0x1a: {  	s8 =	sadd.s32 $0xFFFFE003, lr  }
0x1b: {  	s9 =	sadd.s32 $0xFFFFFEF7, lr;
	s5 =	simm.s32 $0xFFFFFFFF;
	p2 =	slt.u32 s8, $0xFFFFF086  }
0x1c: {  	p1 =	slt.u32 s9, $0xF7A;
	s5 =	simm.s32 @!p2 $0x0  }
0x1d: {  	s5 =	simm.s32 @p1 $0x1;
	p0 =	seq.s32 s7, s2  }
0x1e: {  	s7 =	smul.u32 @!p0 $0xF7A, s2;
	p2 =	seq.s32 @!p0 s5, $0x0  }
0x1f: {  	s9 =	smul.u32 $0xF7A, s1;
	s8 =	simm.s32 @!p0 $0x1BF5;
	p2 =	por !p2, p0  }
0x20: {  	[sflag:s8] =	ssyncset.s32 @!p0 $0xFFFFF086;
	s6 =	sadd.s32 @!p0 s3, s7;
	s7 =	simm.s32 @!p0 $0x108  }
0x21: {  	s3 =	sadd.s32 s3, s9;
	s6 =	sadd.s32 @!p0 $0x88, s6;
	s7 =	simm.s32 @p2 $0x1082  }
0x22: {  	[simem:s7], [sflag:s8] =	dma.local @!p0 [hbm:s6], $0xF7A  }
0x23: {  	s9 =	sor.u32 $0xD0000000, s2;
	s6 =	simm.s32 $0x108;
	_ =	swait.ge @!p0 [sflag:s8], $0x0  }
0x24: {  	s3 =	sadd.s32 $0x88, s3;
	s6 =	simm.s32 @!p1 $0x1082;
	[sflag:s4] =	ssyncset.s32 $0xFFFFF086  }
0x25: {  	[simem:s6], [sflag:s4] =	dma.local [hbm:s3], $0xF7A  }
0x26: {  	[smem:$0x3F9A] =	sst s1;
	(tag) =	ssettag s2;
	_ =	strace s9  }
0x27: {  	s1 =	sld [smem:$0x3FAA]  }
0x28: {  	s2 =	sld [smem:$0x3FAB]  }
0x29: {  	s4 =	sld [smem:$0x3FAD]  }
0x2a: {  	p0 =	seq.s32 s5, $0x0;
	s5 =	sld [smem:$0x3FAE]  }
0x2b: {  	s6 =	sld [smem:$0x3FAF]  }
0x2c: {  	s7 =	sld [smem:$0x3FB0]  }
0x2d: {  	s3 =	simm.s32 $0x108;
	s8 =	sld [smem:$0x3FB1]  }
0x2e: {  	s3 =	simm.s32 @!p0 $0x1082;
	s9 =	sld [smem:$0x3FB2]  }
0x2f: {  	lr =	sadd.s32 s0, s3;
	s0 =	sld [smem:$0x3FA9]  }
0x30: {  	s3 =	sld [smem:$0x3FAC]  }
0x31: {  	[smem:$0x3FB5] =	sst s10  }
0x32: {  	s10 =	sld [smem:$0x3FB3];
	_ =	sdelay $0x3  }
0x33: {  	p0 =	seq.s32 s10, $0x1;
	s10 =	sld [smem:$0x3FB5];
	_ =	sdelay $0x3  }
0x34: {  	[smem:$0x3FB5] =	sst s10  }
0x35: {  	s10 =	sld [smem:$0x3FB4];
	_ =	sdelay $0x3  }
0x36: {  	p1 =	seq.s32 s10, $0x1;
	s10 =	sld [smem:$0x3FB5];
	_ =	sdelay $0x3  }
0x37: {  	[smem:$0x3FB5] =	sst s10  }
0x38: {  	s10 =	sld [smem:$0x3FB6]  }
0x39: {  	_ = 	snop;
	(pc) =	sbr.ind lr, $3  }
0x3a: {  	_ = 	snop  }
0x3b: {  	_ = 	snop  }
0x3c: {  	p2 =	seq.s32 s10, $0x1;
	s10 =	sld [smem:$0x3FB5]  }
0x3d: {  	_ =	shalt  }
0x3e: {  	_ =	shalt  }
0x3f: {  	_ =	shalt  }
0x40: {  	_ =	shalt  }
0x41: {  	_ =	shalt  }
0x42: {  	_ =	shalt  }
0x43: {  	_ =	shalt  }
0x44: {  	_ =	shalt  }
0x45: {  	_ =	shalt  }
0x46: {  	_ =	shalt  }
0x47: {  	_ =	shalt  }
0x48: {  	_ =	shalt  }
0x49: {  	_ =	shalt  }
0x4a: {  	_ =	shalt  }
0x4b: {  	_ =	shalt  }
0x4c: {  	_ =	shalt  }
0x4d: {  	_ =	shalt  }
0x4e: {  	_ =	shalt  }
0x4f: {  	_ =	shalt  }
0x50: {  	_ =	shalt  }
0x51: {  	_ =	shalt  }
0x52: {  	_ =	shalt  }
0x53: {  	_ =	shalt  }
0x54: {  	_ =	shalt  }
0x55: {  	_ =	shalt  }
0x56: {  	_ =	shalt  }
0x57: {  	_ =	shalt  }
0x58: {  	_ =	shalt  }
0x59: {  	_ =	shalt  }
0x5a: {  	_ =	shalt  }
0x5b: {  	_ =	shalt  }
0x5c: {  	_ =	shalt  }
0x5d: {  	_ =	shalt  }
0x5e: {  	_ =	shalt  }
0x5f: {  	_ =	shalt  }
0x60: {  	_ =	shalt  }
0x61: {  	_ =	shalt  }
0x62: {  	_ =	shalt  }
0x63: {  	_ =	shalt  }
0x64: {  	_ =	shalt  }
0x65: {  	_ =	shalt  }
0x66: {  	_ =	shalt  }
0x67: {  	_ =	shalt  }
0x68: {  	_ =	shalt  }
0x69: {  	_ =	shalt  }
0x6a: {  	_ =	shalt  }
0x6b: {  	_ =	shalt  }
0x6c: {  	_ =	shalt  }
0x6d: {  	_ =	shalt  }
0x6e: {  	_ =	shalt  }
0x6f: {  	_ =	shalt  }
0x70: {  	_ =	shalt  }
0x71: {  	_ =	shalt  }
0x72: {  	_ =	shalt  }
0x73: {  	_ =	shalt  }
0x74: {  	_ =	shalt  }
0x75: {  	_ =	shalt  }
0x76: {  	_ =	shalt  }
0x77: {  	_ =	shalt  }
0x78: {  	_ =	shalt  }
0x79: {  	_ =	shalt  }
0x7a: {  	_ =	shalt  }
0x7b: {  	_ =	shalt  }
0x7c: {  	_ =	shalt  }
0x7d: {  	_ =	shalt  }
0x7e: {  	_ =	shalt  }
0x7f: {  	_ =	shalt  }
0x80: {  	_ =	shalt  }
0x81: {  	_ =	shalt  }
0x82: {  	_ =	shalt  }
0x83: {  	_ =	shalt  }
0x84: {  	_ =	shalt  }
0x85: {  	_ =	shalt  }
0x86: {  	_ =	shalt  }
0x87: {  	_ =	shalt  }
.Lfunc_end0:
.L_simem_size_0:
called_computation.1_lowered:
.L_overlay_start_0:
0x88: {  	s2 =	sld [smem:$0x3FD9]  }
0x89: {  	s3 =	sld [smem:$0x3FFE];
	_ =	sdelay $0x1  }
0x8a: {  	s1 =	srdreg.scid  }
0x8b: {  	s0 =	sand.u32 $0x1, s1  }
0x8c: {  	s17 =	sshll.u32 s0, $0xA;
	s2 =	sadd.s32 s3, s2  }
0x8d: {  	s2 =	sadd.s32 s2, s17  }
0x8e: {  	[smem:$0x3FC1] =	sst s2  }
0x8f: {  	_ = 	snop  }
0x90: {  	s2 =	sld [smem:$0x3FD0];
	(tm) =	ssettm $0x1  }
0x91: {  	s18 =	sld [smem:$0x3FFB];
	_ =	sdelay $0x3  }
0x92: {  	_ =	strace s18  }
0x93: {  	s3 =	sld [smem:$0x3FFC];
	_ =	sdelay $0x3  }
0x94: {  	_ =	strace s3  }
0x95: {  	s3 =	sld [smem:$0x3FFD];
	_ =	sdelay $0x3  }
0x96: {  	_ =	strace s3  }
0x97: {  	_ =	strace $0x8FFFFFFF  }
0x98: {  	s19 =	sld [smem:$0x3FDB];
	_ =	sdelay $0x1  }
0x99: {  	s4 =	simm.s32 $_scs_section_size  }
0x9a: {  	s5 =	simm.s32 $_size__tile_overlayer_lowered;
	s6 =	simm.s32 $_tile_overlayer_lowered  }
0x9b: {  	s22 =	simm.s32 $0x1BFF;
	s21 =	sshll.u32 s6, $0x1;
	s3 =	sadd.s32 s4, s19  }
0x9c: {  	s7 =	simm.s32 $0x0;
	s20 =	sshll.u32 s5, $0x1;
	s5 =	sadd.s32 s21, s3  }
0x9d: {  	[timem:s7], [sflag:s22] =	dma.local [hbm:s5], s20  }
0x9e: {  	_ =	swait.ge [sflag:s22], s20  }
0x9f: {  	s4 =	ssub.s32 $0x0, s20;
	[sflag:s22] =	ssyncset.done $0x0  }
0xa0: {  	[sflag:s22] =	ssyncadd.s32 s4;
	_ =	sdelay $0x1  }
0xa1: {  	s23 =	simm.s32 $0x1B8B  }
0xa2: {  	_ =	swait.ge [sflag:s23], $0x1  }
0xa3: {  	[sflag:s23] =	ssyncset.done $0x0  }
0xa4: {  	s25 =	simm.s32 $0x1B8E;
	s24 =	sld [smem:$0x3FFE];
	[sflag:s23] =	ssyncadd.s32 $0xFFFFFFFF  }
0xa5: {  	s26 =	simm.s32 $execute0_lowered;
	[smem:$0x3FD2] =	sst s25  }
0xa6: {  	s5 =	sshll.u32 s26, $0x1;
	_ =	strace $0x80000049;
	[dreg:$0x1] =	wrdreg $0xFFFFFFFF  }
0xa7: {  	s28 =	simm.s32 $_size_execute0_lowered;
	s3 =	sadd.s32 s3, s5;
	[dreg:$0x0] =	wrdreg $0x0  }
0xa8: {  	s5 =	sshll.u32 s28, $0x1;
	[dreg:$0x2] =	wrdreg s3  }
0xa9: {  	[dreg:$0x3] =	wrdreg s5  }
0xaa: {  	[dreg:$0x4] =	wrdreg $0xC0  }
0xab: {  	_ =	task [dreg:s7], $0x5FFFF  }
0xac: {  	[dreg:$0x1] =	wrdreg $0xFFFFFFFF  }
0xad: {  	[dreg:$0x0] =	wrdreg $0x60  }
0xae: {  	[dreg:$0x2] =	wrdreg s2  }
0xaf: {  	[dreg:$0x3] =	wrdreg s24  }
0xb0: {  	[dreg:$0x4] =	wrdreg $0x0  }
0xb1: {  	[dreg:$0x5] =	wrdreg $0x9  }
0xb2: {  	_ =	task.clear_ibuf [dreg:s7], $0x6FFFF;
	_ =	strace $0x90000049  }
0xb3: {  	s29 =	simm.s32 $0x9;
	_ =	strace $0x8000004B  }
0xb4: {  	_ =	swait.ge [sflag:s29], $0x1  }
0xb5: {  	[sflag:s29] =	ssyncadd.s32 $0xFFFFFFFF  }
0xb6: {  	_ =	strace $0x9000004B  }
0xb7: {  	_ =	sfence  }
0xb8: {  	s30 =	sld [smem:$0x0];
	_ =	sdelay $0x2  }
0xb9: {  	s31 =	sshll.u32 s1, $0xD;
	s1 =	sshrl.u32 s1, $0x2  }
0xba: {  	s3 =	sand.u32 $0x4000, s31;
	s1 =	sadd.s32 s1, s30  }
0xbb: {  	s0 =	sor.u32 s3, s0;
	s1 =	sshll.u32 s1, $0x11  }
0xbc: {  	s0 =	sor.u32 s1, s0  }
0xbd: {  	s0 =	sadd.s32 $0x8F2B, s0  }
0xbe: {  	[sflag:s0] =	ssyncadd.remote.s32 $0x1  }
0xbf: {  	_ =	sfence.sel $0xFFFF  }
0xc0: {  	[dreg:$0x0] =	wrdreg $0xFFFFFFFF;
	(pc) =	sbr.abs _section_cstart, $3  }
0xc1: {  	[dreg:$0x1] =	wrdreg $0xFFFFFFFF  }
0xc2: {  	_ =	task.clear_ibuf [dreg:s7], $0x2FFFF;
	_ =	strace $0x9FFFFFFF  }
0xc3: {  	(tm) =	ssettm $0x7FFFFFFF  }
tec
execute0_lowered:
.L_overlay_start_1:
0x0: {  	(tag) =	ssettag $0x1  }
0x1: {  	s0 =	srdreg.scid;
	s1 =	rddreg [dreg:$0x0]  }
0x2: {  	s8 =	stileid.u32;
	s4 =	rddreg [dreg:$0x1]  }
0x3: {  	s3 =	rddreg [dreg:$0x2];
	s7 =	simm.s32 $0x0;
	s28 =	simm.s32 $0x1  }
0x4: {  	s29 =	simm.s32 $0x2;
	s30 =	simm.s32 $0x3;
	s16 =	smul.u32 $0x13C00, s8  }
0x5: {  	s0 =	sand.u32 $0x1, s0;
	s2 =	sshll.u32 s8, $0x1;
	s8 =	smul.u32 $0x4F000, s8  }
0x6: {  	s31 =	simm.s32 $0x16A00;
	s2 =	sor.u32 s0, s2;
	s6 =	smul.u32 $0x13C000, s0  }
0x7: {  	[smem:$0x7FF] =	sst s7;
	s9 =	sadd.s32 $0x2000, s4;
	s5 =	smul.u32 $0x3800, s2  }
0x8: {  	_ =	strace $0x8000004A;
	s0 =	ssub.s32 $0x2, s0;
	s20 =	smul.u32 $0x2880, s2  }
0x9: {  	s18 =	sshrl.u32 s8, $0x2;
	s19 =	sshrl.u32 s0, $0x1;
	s2 =	smul.u32 $0x510, s2  }
0xa: {  	s17 =	sadd.s32 s16, s6;
	s0 =	ssub.s32 s0, s19;
	s5 =	sshrl.u32 s5, $0x3  }
0xb: {  	s19 =	simm.s32 $0x4;
	s15 =	sadd.s32 s5, s4;
	s5 =	sshrl.u32 s17, $0x3  }
0xc: {  	s12 =	sadd.s32 s9, s2;
	s4 =	sadd.s32 s5, s4;
	s5 =	sadd.s32 s18, s3  }
0xd: {  	s2 =	simm.s32 $0x16A80;
	s17 =	smax.u32 s0, $0x1;
	s6 =	sadd.s32 $0x3000, s5  }
0xe: {  	s0 =	simm.s32 $0x0;
	s21 =	sadd.s32 $0x6000, s5;
	[dreg:$0x4] =	wrdreg s6  }
0xf: {  	s13 =	sadd.s32 $0xC200, s15;
	s22 =	sadd.s32 $0x9000, s5;
	[dreg:$0x5] =	wrdreg s21  }
0x10: {  	s15 =	sadd.s32 $0xC580, s15;
	s23 =	sadd.s32 $0xC000, s5;
	[dreg:$0x6] =	wrdreg s22  }
0x11: {  	s18 =	simm.s32 $0x16C80;
	s24 =	sadd.s32 $0xF000, s5;
	[dreg:$0x7] =	wrdreg s23  }
0x12: {  	s25 =	sadd.s32 $0x12000, s5;
	s16 =	sadd.s32 $0x69200, s4;
	[dreg:$0x8] =	wrdreg s24  }
0x13: {  	s4 =	simm.s32 $0x16B00;
	s6 =	sshrl.u32 s20, $0x3;
	[dreg:$0x9] =	wrdreg s25  }
0x14: {  	s20 =	simm.s32 $0x13C00;
	s21 =	simm.s32 $0x15080;
	s22 =	simm.s32 $0x60  }
0x15: {  	s23 =	simm.s32 $0x13C60;
	s24 =	simm.s32 $0x19C80;
	s26 =	sadd.s32 s9, s6  }
0x16: {  	v0 =	vimm.f32 $0.0e+00;
	s25 =	simm.s32 $0x13CC0;
	s14 =	sadd.s32 $0x288, s26;
	s26 =	simm.s32 $0x1CC80  }
.LBB2_1:
0x17: {  	s6 =	simm.s32 $0x0  }
0x18: {  	s6 =	smul.u32 $0xAAAB, s6;
	_ =	sdelay $0x1  }
0x19: {  	s6 =	sshrl.u32 s6, $0x16  }
0x1a: {  	s7 =	smul.u32 $0x60, s6;
	_ =	sdelay $0x1  }
0x1b: {  	s8 =	smul.u32 $0xC000, s6;
	s7 =	ssub.s32 $0x0, s7  }
0x1c: {  	s7 =	sshll.u32 s7, $0x7  }
0x1d: {  	s6 =	simm.s32 $0x1;
	s10 =	sshrl.u32 s8, $0x2;
	s9 =	sand.u32 $0xFF80, s7  }
0x1e: {  	s8 =	smul.u32 $0xAAAB, s6;
	s7 =	simm.s32 $0x2;
	s9 =	sadd.s32 s9, s10  }
.LBB2_2:
0x1f: {  	p0 =	sne.s32 s7, $0x11F;
	s10 =	sadd.s32 $0x16C80, s9;
	[tilespmem:s9+$0x16C80] =	vst v0  }
0x20: {  	s8 =	sshrl.u32 s8, $0x16;
	[tilespmem:s10+$0x10] =	vst v0  }
0x21: {  	s9 =	smul.u32 $0x60, s8;
	[tilespmem:s10+$0x20] =	vst v0  }
.Ltmp0:
0x22: {  	[tilespmem:s10+$0x30] =	vst v0;
	(pc) =	sbr.rel @p0 .LBB2_2-.Ltmp0, $4  }
0x23: {  	s8 =	smul.u32 $0xC000, s8;
	s9 =	ssub.s32 s6, s9;
	[tilespmem:s10+$0x40] =	vst v0;
	s6 =	smov.u32 s7  }
0x24: {  	s9 =	sshll.u32 s9, $0x7;
	[tilespmem:s10+$0x50] =	vst v0  }
0x25: {  	s11 =	sshrl.u32 s8, $0x2;
	s9 =	sand.u32 $0xFF80, s9;
	[tilespmem:s10+$0x60] =	vst v0  }
0x26: {  	s7 =	sadd.s32 $0x1, s7;
	s8 =	smul.u32 $0xAAAB, s6;
	s9 =	sadd.s32 s9, s11;
	[tilespmem:s10+$0x70] =	vst v0  }
0x27: {  	s7 =	sadd.s32 $0x16C80, s9;
	[tilespmem:s9+$0x16C80] =	vst v0  }
0x28: {  	s8 =	sshrl.u32 s8, $0x16;
	[tilespmem:s7+$0x10] =	vst v0  }
0x29: {  	[tilespmem:s7+$0x20] =	vst v0;
	s11 =	smul.u32 $0x60, s8  }
0x2a: {  	[tilespmem:s7+$0x30] =	vst v0  }
0x2b: {  	[tilespmem:s7+$0x40] =	vst v0;
	s8 =	smul.u32 $0xC000, s8;
	s6 =	ssub.s32 s6, s11  }
0x2c: {  	[tilespmem:s7+$0x50] =	vst v0;
	s6 =	sshll.u32 s6, $0x7  }
0x2d: {  	[tilespmem:s7+$0x60] =	vst v0;
	s8 =	sshrl.u32 s8, $0x2;
	s6 =	sand.u32 $0xFF80, s6  }
0x2e: {  	[tilespmem:s7+$0x70] =	vst v0;
	s6 =	sadd.s32 s6, s8  }
0x2f: {  	s9 =	sadd.s32 $0x16C80, s6;
	[tilespmem:s6+$0x16C80] =	vst v0  }
0x30: {  	[tilespmem:s9+$0x10] =	vst v0  }
0x31: {  	[tilespmem:s9+$0x20] =	vst v0  }
0x32: {  	[tilespmem:s9+$0x30] =	vst v0  }
0x33: {  	[tilespmem:s9+$0x40] =	vst v0  }
0x34: {  	[tilespmem:s9+$0x50] =	vst v0  }
0x35: {  	[tilespmem:s9+$0x60] =	vst v0  }
0x36: {  	[tilespmem:s9+$0x70] =	vst v0  }
0x37: {  	[spmem:s5] =	stream.linear.scatter [tilespmem:s18], [sflag:$0x4], $0x3000, $0x38;
	[tilespmem:$0x1FC80] =	vst v63  }
0x38: {  	_ =	swait.ge [sflag:s19], $0x3000  }
0x39: {  	[sflag:s19] =	ssyncset.done $0x0  }
0x3a: {  	s10 =	rddreg [dreg:$0x4];
	[sflag:s19] =	ssyncadd.s32 $0xFFFFD000  }
0x3b: {  	[spmem:s10] =	stream.linear.scatter [tilespmem:s18], [sflag:$0x4], $0x3000, $0x38;
	[tilespmem:$0x1FC80] =	vst v63  }
0x3c: {  	_ =	swait.ge [sflag:s19], $0x3000  }
0x3d: {  	[sflag:s19] =	ssyncset.done $0x0  }
0x3e: {  	s11 =	rddreg [dreg:$0x5];
	[sflag:s19] =	ssyncadd.s32 $0xFFFFD000  }
0x3f: {  	[spmem:s11] =	stream.linear.scatter [tilespmem:s18], [sflag:$0x4], $0x3000, $0x38;
	[tilespmem:$0x1FC80] =	vst v63  }
0x40: {  	_ =	swait.ge [sflag:s19], $0x3000  }
0x41: {  	[sflag:s19] =	ssyncset.done $0x0  }
0x42: {  	s7 =	rddreg [dreg:$0x6];
	[sflag:s19] =	ssyncadd.s32 $0xFFFFD000  }
0x43: {  	[spmem:s7] =	stream.linear.scatter [tilespmem:s18], [sflag:$0x4], $0x3000, $0x38;
	[tilespmem:$0x1FC80] =	vst v63  }
0x44: {  	_ =	swait.ge [sflag:s19], $0x3000  }
0x45: {  	[sflag:s19] =	ssyncset.done $0x0  }
0x46: {  	s8 =	rddreg [dreg:$0x7];
	[sflag:s19] =	ssyncadd.s32 $0xFFFFD000  }
0x47: {  	[spmem:s8] =	stream.linear.scatter [tilespmem:s18], [sflag:$0x4], $0x3000, $0x38;
	[tilespmem:$0x1FC80] =	vst v63  }
0x48: {  	_ =	swait.ge [sflag:s19], $0x3000  }
0x49: {  	[sflag:s19] =	ssyncset.done $0x0  }
0x4a: {  	s9 =	rddreg [dreg:$0x8];
	[sflag:s19] =	ssyncadd.s32 $0xFFFFD000  }
0x4b: {  	[spmem:s9] =	stream.linear.scatter [tilespmem:s18], [sflag:$0x4], $0x3000, $0x38;
	[tilespmem:$0x1FC80] =	vst v63  }
0x4c: {  	_ =	swait.ge [sflag:s19], $0x3000  }
0x4d: {  	[sflag:s19] =	ssyncset.done $0x0  }
0x4e: {  	s10 =	rddreg [dreg:$0x9];
	[sflag:s19] =	ssyncadd.s32 $0xFFFFD000  }
0x4f: {  	[spmem:s10] =	stream.linear.scatter [tilespmem:s18], [sflag:$0x4], $0x1C00, $0x38;
	[tilespmem:$0x1FC80] =	vst v63  }
0x50: {  	_ =	swait.ge [sflag:s19], $0x1C00  }
0x51: {  	[sflag:s19] =	ssyncset.done $0x0  }
0x52: {  	s11 =	simm.s32 $0x0;
	[sflag:s19] =	ssyncadd.s32 $0xFFFFE400  }
0x53: {  	[tilespmem:s20], [sflag:$0x4] =	stream.linear.gather [hbm4b:s12+s11], $0x1440, $0x38;
	[tilespmem:$0x1FC80] =	vst v63  }
0x54: {  	_ =	swait.ge [sflag:s19], $0x1440  }
0x55: {  	[sflag:s19] =	ssyncset.done $0x0  }
0x56: {  	[sflag:s19] =	ssyncadd.s32 $0xFFFFEBC0  }
0x57: {  	[tilespmem:s21], [sflag:$0x4] =	stream.linear.gather [hbm4b:s13+s11], $0x1B00, $0x38;
	[tilespmem:$0x1FC80] =	vst v63  }
0x58: {  	_ =	swait.ge [sflag:s19], $0x1B00  }
0x59: {  	[sflag:s19] =	ssyncset.done $0x0  }
0x5a: {  	[sflag:s19] =	ssyncadd.s32 $0xFFFFE500  }
0x5b: {  	[tilespmem:s18], [sflag:$0x1] =	stream.indirect.gather [hbm4b:s1+s22], $0x80, s20, s22, $0xb8;
	[tilespmem:$0x1FC80] =	vst v63  }
0x5c: {  	_ = 	snop  }
0x5d: {  	[tilespmem:s24], [sflag:$0x2] =	stream.indirect.gather [hbm4b:s1+s22], $0x80, s23, s22, $0xb8;
	[tilespmem:$0x1FC80] =	vst v63  }
0x5e: {  	_ = 	snop  }
0x5f: {  	[tilespmem:s26], [sflag:$0x3] =	stream.indirect.gather [hbm4b:s1+s22], $0x80, s25, s22, $0xb8;
	[tilespmem:$0x1FC80] =	vst v63  }
0x60: {  	[bflag:$0x0] =	sbarrier.arrive $0xFFFF  }
0x61: {  	_ =	swait.ge [sflag:s28], $0x3000  }
0x62: {  	[sflag:s28] =	ssyncset.done $0x0  }
0x63: {  	s7 =	simm.s32 $0x15080;
	[sflag:s28] =	ssyncadd.s32 $0xFFFFD000  }
0x64: {  	[spmem:s3] =	stream.indirect.scatter.add.f32 [tilespmem:s18], [sflag:$0x4], $0x80, s7, s22, $0xb8;
	[tilespmem:$0x1FC80] =	vst v63  }
0x65: {  	_ =	swait.ge [sflag:s19], $0x3000  }
0x66: {  	[sflag:s19] =	ssyncset.done $0x0  }
0x67: {  	s8 =	simm.s32 $0x13D20;
	[sflag:s19] =	ssyncadd.s32 $0xFFFFD000  }
0x68: {  	[tilespmem:s18], [sflag:$0x1] =	stream.indirect.gather [hbm4b:s1+s22], $0x80, s8, s22, $0xb8;
	[tilespmem:$0x1FC80] =	vst v63  }
0x69: {  	_ =	swait.ge [sflag:s29], $0x3000  }
0x6a: {  	[sflag:s29] =	ssyncset.done $0x0  }
0x6b: {  	s9 =	simm.s32 $0x15100;
	[sflag:s29] =	ssyncadd.s32 $0xFFFFD000  }
0x6c: {  	[spmem:s3] =	stream.indirect.scatter.add.f32 [tilespmem:s24], [sflag:$0x4], $0x80, s9, s22, $0xb8;
	[tilespmem:$0x1FC80] =	vst v63  }
0x6d: {  	_ =	swait.ge [sflag:s19], $0x3000  }
0x6e: {  	[sflag:s19] =	ssyncset.done $0x0  }
0x6f: {  	s10 =	simm.s32 $0x13D80;
	[sflag:s19] =	ssyncadd.s32 $0xFFFFD000  }
0x70: {  	[tilespmem:s24], [sflag:$0x2] =	stream.indirect.gather [hbm4b:s1+s22], $0x80, s10, s22, $0xb8;
	[tilespmem:$0x1FC80] =	vst v63  }
0x71: {  	_ =	swait.ge [sflag:s30], $0x3000  }
0x72: {  	[sflag:s30] =	ssyncset.done $0x0  }
0x73: {  	s11 =	simm.s32 $0x15180;
	[sflag:s30] =	ssyncadd.s32 $0xFFFFD000  }
0x74: {  	[spmem:s3] =	stream.indirect.scatter.add.f32 [tilespmem:s26], [sflag:$0x4], $0x80, s11, s22, $0xb8;
	[tilespmem:$0x1FC80] =	vst v63  }
0x75: {  	_ =	swait.ge [sflag:s19], $0x3000  }
0x76: {  	s6 =	simm.s32 $0x13DE0;
	[sflag:s19] =	ssyncset.done $0x0  }
0x77: {  	s7 =	simm.s32 $0x600;
	s8 =	simm.s32 $0x13F00;
	[sflag:s19] =	ssyncadd.s32 $0xFFFFD000  }
.LBB2_4:
0x78: {  	[tilespmem:s26], [sflag:$0x3] =	stream.indirect.gather [hbm4b:s1+s22], $0x80, s6, s22, $0xb8;
	[tilespmem:$0x1FC80] =	vst v63  }
0x79: {  	s9 =	smov.u32 s7;
	s6 =	smov.u32 s8  }
0x7a: {  	p0 =	sne.s32 s7, $0x6000;
	s7 =	sadd.s32 $0x600, s7;
	_ =	swait.ge [sflag:s28], $0x3000  }
0x7b: {  	s9 =	sshra.s32 s9, $0x2;
	[sflag:s28] =	ssyncset.done $0x0  }
0x7c: {  	s10 =	sadd.s32 $0x15080, s9;
	[sflag:s28] =	ssyncadd.s32 $0xFFFFD000  }
0x7d: {  	[spmem:s3] =	stream.indirect.scatter.add.f32 [tilespmem:s18], [sflag:$0x4], $0x80, s10, s22, $0xb8;
	[tilespmem:$0x1FC80] =	vst v63  }
0x7e: {  	_ =	swait.ge [sflag:s19], $0x3000  }
0x7f: {  	[sflag:s19] =	ssyncset.done $0x0  }
0x80: {  	s10 =	sadd.s32 $0xFFFFFF40, s8;
	[sflag:s19] =	ssyncadd.s32 $0xFFFFD000  }
0x81: {  	[tilespmem:s18], [sflag:$0x1] =	stream.indirect.gather [hbm4b:s1+s22], $0x80, s10, s22, $0xb8;
	[tilespmem:$0x1FC80] =	vst v63  }
0x82: {  	_ =	swait.ge [sflag:s29], $0x3000  }
0x83: {  	[sflag:s29] =	ssyncset.done $0x0  }
0x84: {  	s10 =	sadd.s32 $0x15100, s9;
	[sflag:s29] =	ssyncadd.s32 $0xFFFFD000  }
0x85: {  	[spmem:s3] =	stream.indirect.scatter.add.f32 [tilespmem:s24], [sflag:$0x4], $0x80, s10, s22, $0xb8;
	[tilespmem:$0x1FC80] =	vst v63  }
0x86: {  	_ =	swait.ge [sflag:s19], $0x3000  }
0x87: {  	[sflag:s19] =	ssyncset.done $0x0  }
0x88: {  	s10 =	sadd.s32 $0xFFFFFFA0, s8;
	[sflag:s19] =	ssyncadd.s32 $0xFFFFD000  }
0x89: {  	[tilespmem:s24], [sflag:$0x2] =	stream.indirect.gather [hbm4b:s1+s22], $0x80, s10, s22, $0xb8;
	[tilespmem:$0x1FC80] =	vst v63  }
0x8a: {  	_ =	swait.ge [sflag:s30], $0x3000  }
0x8b: {  	[sflag:s30] =	ssyncset.done $0x0  }
.Ltmp1:
0x8c: {  	s9 =	sadd.s32 $0x15180, s9;
	[sflag:s30] =	ssyncadd.s32 $0xFFFFD000;
	(pc) =	sbr.rel @p0 .LBB2_4-.Ltmp1, $4  }
0x8d: {  	[spmem:s3] =	stream.indirect.scatter.add.f32 [tilespmem:s26], [sflag:$0x4], $0x80, s9, s22, $0xb8;
	[tilespmem:$0x1FC80] =	vst v63  }
0x8e: {  	_ =	swait.ge [sflag:s19], $0x3000  }
0x8f: {  	[sflag:s19] =	ssyncset.done $0x0  }
0x90: {  	s8 =	sadd.s32 $0x120, s8;
	[sflag:s19] =	ssyncadd.s32 $0xFFFFD000  }
0x91: {  	[tilespmem:s26], [sflag:$0x3] =	stream.indirect.gather [hbm4b:s1+s22], $0x80, s6, s22, $0xb8;
	[tilespmem:$0x1FC80] =	vst v63  }
0x92: {  	_ =	swait.ge [sflag:s28], $0x3000  }
0x93: {  	[sflag:s28] =	ssyncset.done $0x0  }
0x94: {  	[sflag:s28] =	ssyncadd.s32 $0xFFFFD000  }
0x95: {  	[spmem:s3] =	stream.indirect.scatter.add.f32 [tilespmem:s18], [sflag:$0x4], $0x80, s31, s22, $0xb8;
	[tilespmem:$0x1FC80] =	vst v63  }
0x96: {  	_ =	swait.ge [sflag:s19], $0x3000  }
0x97: {  	[sflag:s19] =	ssyncset.done $0x0  }
0x98: {  	[sflag:s19] =	ssyncadd.s32 $0xFFFFD000  }
0x99: {  	_ =	swait.ge [sflag:s29], $0x3000  }
0x9a: {  	[sflag:s29] =	ssyncset.done $0x0  }
0x9b: {  	[sflag:s29] =	ssyncadd.s32 $0xFFFFD000  }
0x9c: {  	[spmem:s3] =	stream.indirect.scatter.add.f32 [tilespmem:s24], [sflag:$0x4], $0x80, s2, s22, $0xb8;
	[tilespmem:$0x1FC80] =	vst v63  }
0x9d: {  	_ =	swait.ge [sflag:s19], $0x3000  }
0x9e: {  	[sflag:s19] =	ssyncset.done $0x0  }
0x9f: {  	[sflag:s19] =	ssyncadd.s32 $0xFFFFD000  }
0xa0: {  	_ =	swait.ge [sflag:s30], $0x3000  }
0xa1: {  	[sflag:s30] =	ssyncset.done $0x0  }
0xa2: {  	[sflag:s30] =	ssyncadd.s32 $0xFFFFD000  }
0xa3: {  	[spmem:s3] =	stream.indirect.scatter.add.f32 [tilespmem:s26], [sflag:$0x4], $0x80, s4, s22, $0xb8;
	[tilespmem:$0x1FC80] =	vst v63  }
0xa4: {  	_ =	swait.ge [sflag:s19], $0x3000  }
0xa5: {  	[sflag:s19] =	ssyncset.done $0x0  }
0xa6: {  	s11 =	simm.s32 $0x0;
	[sflag:s19] =	ssyncadd.s32 $0xFFFFD000  }
0xa7: {  	[tilespmem:s20], [sflag:$0x4] =	stream.linear.gather [hbm4b:s14+s11], $0x1440, $0x38;
	[tilespmem:$0x1FC80] =	vst v63  }
0xa8: {  	_ =	swait.ge [sflag:s19], $0x1440  }
0xa9: {  	[sflag:s19] =	ssyncset.done $0x0  }
0xaa: {  	[sflag:s19] =	ssyncadd.s32 $0xFFFFEBC0  }
0xab: {  	[tilespmem:s21], [sflag:$0x4] =	stream.linear.gather [hbm4b:s15+s11], $0x1B00, $0x38;
	[tilespmem:$0x1FC80] =	vst v63  }
0xac: {  	_ =	swait.ge [sflag:s19], $0x1B00  }
0xad: {  	[sflag:s19] =	ssyncset.done $0x0  }
0xae: {  	[sflag:s19] =	ssyncadd.s32 $0xFFFFE500  }
0xaf: {  	[tilespmem:s18], [sflag:$0x1] =	stream.indirect.gather [hbm4b:s1+s22], $0x80, s20, s22, $0xb8;
	[tilespmem:$0x1FC80] =	vst v63  }
0xb0: {  	_ = 	snop  }
0xb1: {  	[tilespmem:s24], [sflag:$0x2] =	stream.indirect.gather [hbm4b:s1+s22], $0x80, s23, s22, $0xb8;
	[tilespmem:$0x1FC80] =	vst v63  }
0xb2: {  	_ = 	snop  }
0xb3: {  	[tilespmem:s26], [sflag:$0x3] =	stream.indirect.gather [hbm4b:s1+s22], $0x80, s25, s22, $0xb8;
	[tilespmem:$0x1FC80] =	vst v63  }
0xb4: {  	_ =	swait.ge [sflag:s28], $0x3000  }
0xb5: {  	[sflag:s28] =	ssyncset.done $0x0  }
0xb6: {  	s7 =	simm.s32 $0x15080;
	[sflag:s28] =	ssyncadd.s32 $0xFFFFD000  }
0xb7: {  	[spmem:s3] =	stream.indirect.scatter.add.f32 [tilespmem:s18], [sflag:$0x4], $0x80, s7, s22, $0xb8;
	[tilespmem:$0x1FC80] =	vst v63  }
0xb8: {  	_ =	swait.ge [sflag:s19], $0x3000  }
0xb9: {  	[sflag:s19] =	ssyncset.done $0x0  }
0xba: {  	s8 =	simm.s32 $0x13D20;
	[sflag:s19] =	ssyncadd.s32 $0xFFFFD000  }
0xbb: {  	[tilespmem:s18], [sflag:$0x1] =	stream.indirect.gather [hbm4b:s1+s22], $0x80, s8, s22, $0xb8;
	[tilespmem:$0x1FC80] =	vst v63  }
0xbc: {  	_ =	swait.ge [sflag:s29], $0x3000  }
0xbd: {  	[sflag:s29] =	ssyncset.done $0x0  }
0xbe: {  	s9 =	simm.s32 $0x15100;
	[sflag:s29] =	ssyncadd.s32 $0xFFFFD000  }
0xbf: {  	[spmem:s3] =	stream.indirect.scatter.add.f32 [tilespmem:s24], [sflag:$0x4], $0x80, s9, s22, $0xb8;
	[tilespmem:$0x1FC80] =	vst v63  }
0xc0: {  	_ =	swait.ge [sflag:s19], $0x3000  }
0xc1: {  	[sflag:s19] =	ssyncset.done $0x0  }
0xc2: {  	s10 =	simm.s32 $0x13D80;
	[sflag:s19] =	ssyncadd.s32 $0xFFFFD000  }
0xc3: {  	[tilespmem:s24], [sflag:$0x2] =	stream.indirect.gather [hbm4b:s1+s22], $0x80, s10, s22, $0xb8;
	[tilespmem:$0x1FC80] =	vst v63  }
0xc4: {  	_ =	swait.ge [sflag:s30], $0x3000  }
0xc5: {  	[sflag:s30] =	ssyncset.done $0x0  }
0xc6: {  	s11 =	simm.s32 $0x15180;
	[sflag:s30] =	ssyncadd.s32 $0xFFFFD000  }
0xc7: {  	[spmem:s3] =	stream.indirect.scatter.add.f32 [tilespmem:s26], [sflag:$0x4], $0x80, s11, s22, $0xb8;
	[tilespmem:$0x1FC80] =	vst v63  }
0xc8: {  	_ =	swait.ge [sflag:s19], $0x3000  }
0xc9: {  	s6 =	simm.s32 $0x13DE0;
	[sflag:s19] =	ssyncset.done $0x0  }
0xca: {  	s7 =	simm.s32 $0x600;
	s8 =	simm.s32 $0x13F00;
	[sflag:s19] =	ssyncadd.s32 $0xFFFFD000  }
.LBB2_6:
0xcb: {  	[tilespmem:s26], [sflag:$0x3] =	stream.indirect.gather [hbm4b:s1+s22], $0x80, s6, s22, $0xb8;
	[tilespmem:$0x1FC80] =	vst v63  }
0xcc: {  	s9 =	smov.u32 s7;
	s6 =	smov.u32 s8  }
0xcd: {  	p0 =	sne.s32 s7, $0x6000;
	s7 =	sadd.s32 $0x600, s7;
	_ =	swait.ge [sflag:s28], $0x3000  }
0xce: {  	s9 =	sshra.s32 s9, $0x2;
	[sflag:s28] =	ssyncset.done $0x0  }
0xcf: {  	s10 =	sadd.s32 $0x15080, s9;
	[sflag:s28] =	ssyncadd.s32 $0xFFFFD000  }
0xd0: {  	[spmem:s3] =	stream.indirect.scatter.add.f32 [tilespmem:s18], [sflag:$0x4], $0x80, s10, s22, $0xb8;
	[tilespmem:$0x1FC80] =	vst v63  }
0xd1: {  	_ =	swait.ge [sflag:s19], $0x3000  }
0xd2: {  	[sflag:s19] =	ssyncset.done $0x0  }
0xd3: {  	s10 =	sadd.s32 $0xFFFFFF40, s8;
	[sflag:s19] =	ssyncadd.s32 $0xFFFFD000  }
0xd4: {  	[tilespmem:s18], [sflag:$0x1] =	stream.indirect.gather [hbm4b:s1+s22], $0x80, s10, s22, $0xb8;
	[tilespmem:$0x1FC80] =	vst v63  }
0xd5: {  	_ =	swait.ge [sflag:s29], $0x3000  }
0xd6: {  	[sflag:s29] =	ssyncset.done $0x0  }
0xd7: {  	s10 =	sadd.s32 $0x15100, s9;
	[sflag:s29] =	ssyncadd.s32 $0xFFFFD000  }
0xd8: {  	[spmem:s3] =	stream.indirect.scatter.add.f32 [tilespmem:s24], [sflag:$0x4], $0x80, s10, s22, $0xb8;
	[tilespmem:$0x1FC80] =	vst v63  }
0xd9: {  	_ =	swait.ge [sflag:s19], $0x3000  }
0xda: {  	[sflag:s19] =	ssyncset.done $0x0  }
0xdb: {  	s10 =	sadd.s32 $0xFFFFFFA0, s8;
	[sflag:s19] =	ssyncadd.s32 $0xFFFFD000  }
0xdc: {  	[tilespmem:s24], [sflag:$0x2] =	stream.indirect.gather [hbm4b:s1+s22], $0x80, s10, s22, $0xb8;
	[tilespmem:$0x1FC80] =	vst v63  }
0xdd: {  	_ =	swait.ge [sflag:s30], $0x3000  }
0xde: {  	[sflag:s30] =	ssyncset.done $0x0  }
.Ltmp2:
0xdf: {  	s9 =	sadd.s32 $0x15180, s9;
	[sflag:s30] =	ssyncadd.s32 $0xFFFFD000;
	(pc) =	sbr.rel @p0 .LBB2_6-.Ltmp2, $4  }
0xe0: {  	[spmem:s3] =	stream.indirect.scatter.add.f32 [tilespmem:s26], [sflag:$0x4], $0x80, s9, s22, $0xb8;
	[tilespmem:$0x1FC80] =	vst v63  }
0xe1: {  	_ =	swait.ge [sflag:s19], $0x3000  }
0xe2: {  	[sflag:s19] =	ssyncset.done $0x0  }
0xe3: {  	s8 =	sadd.s32 $0x120, s8;
	[sflag:s19] =	ssyncadd.s32 $0xFFFFD000  }
0xe4: {  	[tilespmem:s26], [sflag:$0x3] =	stream.indirect.gather [hbm4b:s1+s22], $0x80, s6, s22, $0xb8;
	[tilespmem:$0x1FC80] =	vst v63  }
0xe5: {  	_ =	swait.ge [sflag:s28], $0x3000  }
0xe6: {  	[sflag:s28] =	ssyncset.done $0x0  }
0xe7: {  	[sflag:s28] =	ssyncadd.s32 $0xFFFFD000  }
0xe8: {  	[spmem:s3] =	stream.indirect.scatter.add.f32 [tilespmem:s18], [sflag:$0x4], $0x80, s31, s22, $0xb8;
	[tilespmem:$0x1FC80] =	vst v63  }
0xe9: {  	_ =	swait.ge [sflag:s19], $0x3000  }
0xea: {  	[sflag:s19] =	ssyncset.done $0x0  }
0xeb: {  	[sflag:s19] =	ssyncadd.s32 $0xFFFFD000  }
0xec: {  	_ =	swait.ge [sflag:s29], $0x3000  }
0xed: {  	[sflag:s29] =	ssyncset.done $0x0  }
0xee: {  	[sflag:s29] =	ssyncadd.s32 $0xFFFFD000  }
0xef: {  	[spmem:s3] =	stream.indirect.scatter.add.f32 [tilespmem:s24], [sflag:$0x4], $0x80, s2, s22, $0xb8;
	[tilespmem:$0x1FC80] =	vst v63  }
0xf0: {  	_ =	swait.ge [sflag:s19], $0x3000  }
0xf1: {  	[sflag:s19] =	ssyncset.done $0x0  }
0xf2: {  	[sflag:s19] =	ssyncadd.s32 $0xFFFFD000  }
0xf3: {  	_ =	swait.ge [sflag:s30], $0x3000  }
0xf4: {  	[sflag:s30] =	ssyncset.done $0x0  }
0xf5: {  	[sflag:s30] =	ssyncadd.s32 $0xFFFFD000  }
0xf6: {  	[spmem:s3] =	stream.indirect.scatter.add.f32 [tilespmem:s26], [sflag:$0x4], $0x80, s4, s22, $0xb8;
	[tilespmem:$0x1FC80] =	vst v63  }
0xf7: {  	s11 =	stileid.u32;
	_ =	swait.ge [sflag:s19], $0x3000  }
0xf8: {  	s7 =	sshrl.u32 s5, $0x3;
	s0 =	sadd.s32 $0x1, s0;
	[sflag:s19] =	ssyncset.done $0x0  }
0xf9: {  	s6 =	sshll.u32 s11, $0x6;
	p0 =	sne.s32 s0, s17;
	[sflag:s19] =	ssyncadd.s32 $0xFFFFD000  }
.Ltmp3:
0xfa: {  	s6 =	sor.u32 $0x1C04, s6;
	[bflag:$0x0] =	sbarrier.arrive $0xFFFF;
	(pc) =	sbr.rel @p0 .LBB2_1-.Ltmp3, $4  }
0xfb: {  	[hbm:s16], [sflag:s6] =	dma.local [spmem:s7], $0x2780  }
0xfc: {  	_ =	swait.ge [sflag:s19], $0x2780  }
0xfd: {  	[sflag:s19] =	ssyncset.done $0x0  }
0xfe: {  	[sflag:s19] =	ssyncadd.s32 $0xFFFFD880  }
0xff: {  	_ =	sfence.sel $0x180000  }
0x100: {  	[bflag:$0x0] =	sbarrier.arrive $0xFFFF  }
0x101: {  	_ =	strace $0x9000004A  }
0x102: {  	s0 =	stileid.u32;
	[bflag:$0x2] =	sbarrier.arrive $0xFFFF  }
0x103: {  	p0 =	sne.s32 s0, $0x0;
	s0 =	rddreg [dreg:$0x3]  }
0x104: {  	s0 =	sadd.s32 @!p0 $0x100000, s0  }
0x105: {  	[sflag:s0] =	ssyncadd.tile.s32 @!p0 $0x1;
	_ =	shalt  }
.Lfunc_end2:
_tile_overlayer_lowered:
.L_overlay_start_2:
0x106: {  	(tag) =	ssettag $0x2  }
0x107: {  	s0 =	rddreg [dreg:$0x0];
	s2 =	stileid.u32  }
0x108: {  	s1 =	rddreg [dreg:$0x1];
	p0 =	sne.s32 s2, $0x0  }
0x109: {  	s3 =	rddreg [dreg:$0x2];
	[bflag:$0x3] =	sbarrier.arrive $0xFFFF;
	s2 =	simm.s32 @!p0 $0x1C04  }
0x10a: {  	[timem:s3], [sflag:s2] =	dma.local @!p0 [hbm:s0], s1  }
0x10b: {  	s0 =	simm.s32 @!p0 $0x4  }
0x10c: {  	_ =	swait.ge @!p0 [sflag:s0], s1  }
0x10d: {  	s1 =	ssub.s32 @!p0 $0x0, s1;
	[sflag:s0] =	ssyncset.done @!p0 $0x0  }
0x10e: {  	[sflag:s0] =	ssyncadd.s32 @!p0 s1  }
0x10f: {  	[bflag:$0x3] =	sbarrier.arrive $0xFFFF  }
0x110: {  	_ =	shalt  }

</sc_bundles>
